<compile_context>
chip_gen: v7x
topology: tpu7x:2x2x1
jax: 0.10.2.dev20260603
libtpu: 0.0.44.dev20260713+nightly
codegen_flags: <defaults>
</compile_context>

<pallas_src>
import jax
import jax.numpy as jnp
from jax import lax
from jax.experimental import pallas as pl
from jax.experimental.pallas import tpu as pltpu
from jax.experimental.pallas import tpu_sc as plsc

N = 10000
NP = 10240
E0 = 100000
BATCH = 128
NBATCH = 50
NBG = NBATCH + 2
EPT = BATCH * NBATCH
EP = 16 * EPT
EPT_B = EP // 32
F = 448
FC = 112
STRIPE = NP // 16
NB = 20
NBS = 512
NB2 = 25
NBS2 = 400


def _deg_body(dst_hbm, zeros1_hbm, deg_out, dstv, accv):
    c = lax.axis_index("c")
    s = lax.axis_index("s")
    w = c * 16 + s
    pltpu.sync_copy(zeros1_hbm, accv)
    pltpu.sync_copy(dst_hbm.at[pl.ds(w * EPT_B, EPT_B)], dstv)

    def body(k, carry):
        idx = dstv[pl.ds(k * 16, 16)]
        plsc.addupdate_scatter(accv, [idx], jnp.full((16,), 1.0, jnp.float32))
        return carry

    lax.fori_loop(0, EPT_B // 16, body, 0)
    pltpu.sync_copy(accv, deg_out.at[w])


def _make_deg_kernel(mesh):
    return pl.kernel(
        _deg_body,
        out_type=jax.ShapeDtypeStruct((32, NP), jnp.float32),
        mesh=mesh,
        scratch_types=[
            pltpu.VMEM((EPT_B,), jnp.int32),
            pltpu.VMEM((NP,), jnp.float32),
        ],
        compiler_params=pltpu.CompilerParams(needs_layout_passes=False),
    )


def _run_chunk(srcv, dstv, rows0, sem0, acc_sh, zrows_hbm, stripe, mp_hbm,
               h_out):
    pltpu.sync_copy(zrows_hbm, acc_sh.at[stripe])
    plsc.subcore_barrier()

    def body(j, carry):
        pltpu.async_copy(mp_hbm.at[srcv.at[j]], rows0, sem0).wait()
        pltpu.sync_copy(rows0, acc_sh.at[dstv.at[j]], add=True)
        return carry

    lax.fori_loop(0, NBATCH, body, 0)
    plsc.subcore_barrier()
    pltpu.sync_copy(acc_sh.at[stripe], h_out.at[stripe])
    plsc.subcore_barrier()


def _mpA_body(src_hbm, dst_hbm, mpa, mpb, dinv_hbm, zrows_hbm, zeros1_hbm,
              ha_out, hb_out, cacc_out,
              srcv, dstv, rows0, valsv, sem0, acc_sh, cacc_sh):
    c = lax.axis_index("c")
    s = lax.axis_index("s")
    stripe = pl.ds(s * STRIPE, STRIPE)
    pltpu.sync_copy(src_hbm.at[s], srcv)
    pltpu.sync_copy(dst_hbm.at[s], dstv)

    def run_cacc(j_lo, row):
        pltpu.sync_copy(zeros1_hbm.at[stripe], cacc_sh.at[stripe])
        plsc.subcore_barrier()

        def body(j, carry):
            pltpu.async_copy(dinv_hbm.at[dstv.at[j]], valsv, sem0).wait()
            pltpu.sync_copy(valsv, cacc_sh.at[srcv.at[j]], add=True)
            return carry

        lax.fori_loop(j_lo, j_lo + NBATCH // 2, body, 0)
        plsc.subcore_barrier()
        pltpu.sync_copy(cacc_sh.at[stripe], cacc_out.at[row, stripe])

    @pl.when(c == 0)
    def _():
        _run_chunk(srcv, dstv, rows0, sem0, acc_sh, zrows_hbm, stripe,
                   mpa, ha_out)
        run_cacc(0, 0)

    @pl.when(c == 1)
    def _():
        _run_chunk(srcv, dstv, rows0, sem0, acc_sh, zrows_hbm, stripe,
                   mpb, hb_out)
        run_cacc(NBATCH // 2, 1)


def _mpB_body(src_hbm, dst_hbm, mpa, mpb, zrows_hbm, ha_out, hb_out,
              srcv, dstv, rows0, sem0, acc_sh):
    c = lax.axis_index("c")
    s = lax.axis_index("s")
    stripe = pl.ds(s * STRIPE, STRIPE)
    pltpu.sync_copy(src_hbm.at[s], srcv)
    pltpu.sync_copy(dst_hbm.at[s], dstv)

    @pl.when(c == 0)
    def _():
        _run_chunk(srcv, dstv, rows0, sem0, acc_sh, zrows_hbm, stripe,
                   mpa, ha_out)

    @pl.when(c == 1)
    def _():
        _run_chunk(srcv, dstv, rows0, sem0, acc_sh, zrows_hbm, stripe,
                   mpb, hb_out)


def _make_mpA_kernel(mesh):
    return pl.kernel(
        _mpA_body,
        out_type=(
            jax.ShapeDtypeStruct((NP, FC), jnp.float32),
            jax.ShapeDtypeStruct((NP, FC), jnp.float32),
            jax.ShapeDtypeStruct((2, NP), jnp.float32),
        ),
        mesh=mesh,
        scratch_types=[
            pltpu.VMEM((NBG, BATCH), jnp.int32),
            pltpu.VMEM((NBG, BATCH), jnp.int32),
            pltpu.VMEM((BATCH, FC), jnp.float32),
            pltpu.VMEM((BATCH,), jnp.float32),
            pltpu.SemaphoreType.DMA,
            pltpu.VMEM_SHARED((NP, FC), jnp.float32),
            pltpu.VMEM_SHARED((NP,), jnp.float32),
        ],
        compiler_params=pltpu.CompilerParams(needs_layout_passes=False,
                                             use_tc_tiling_on_sc=False),
    )


def _make_mpB_kernel(mesh):
    return pl.kernel(
        _mpB_body,
        out_type=(
            jax.ShapeDtypeStruct((NP, FC), jnp.float32),
            jax.ShapeDtypeStruct((NP, FC), jnp.float32),
        ),
        mesh=mesh,
        scratch_types=[
            pltpu.VMEM((NBG, BATCH), jnp.int32),
            pltpu.VMEM((NBG, BATCH), jnp.int32),
            pltpu.VMEM((BATCH, FC), jnp.float32),
            pltpu.SemaphoreType.DMA,
            pltpu.VMEM_SHARED((NP, FC), jnp.float32),
        ],
        compiler_params=pltpu.CompilerParams(needs_layout_passes=False,
                                             use_tc_tiling_on_sc=False),
    )


def _dinv_body(dp_ref, dv_ref):
    deg = jnp.sum(dp_ref[...], axis=0, keepdims=True) + 1.0
    dv_ref[...] = lax.rsqrt(deg)


def _mmpair_body(x_ref, w1p_ref, dinv_ref, mpa_ref, mpb_ref):
    mm = dinv_ref[...] * jnp.dot(x_ref[...], w1p_ref[...],
                                 preferred_element_type=jnp.float32)
    mpa_ref[...] = mm[:, :FC]
    mpb_ref[...] = mm[:, FC:]


def _redpair_body(ha_ref, hb_ref, mpa_ref, mpb_ref, cacc_ref, dinv_ref,
                  b1p_ref, out_ref):
    i = pl.program_id(0)
    dinv = dinv_ref[0, :]
    w = dinv * jnp.sum(cacc_ref[...], axis=0) + dinv * dinv
    rows = i * NBS + lax.broadcasted_iota(jnp.int32, (NBS, FC), 0)

    def part(h_ref, mp_ref, b1s):
        h1 = dinv[:, None] * (h_ref[...] + mp_ref[...]) + b1s
        rl = jnp.maximum(h1, 0.0)
        rl = jnp.where(rows < N, rl, 0.0)
        return jnp.dot(w[None, :], rl, preferred_element_type=jnp.float32)

    @pl.when(i == 0)
    def _():
        out_ref[...] = jnp.zeros_like(out_ref)

    out_ref[...] += jnp.concatenate(
        [part(ha_ref, mpa_ref, b1p_ref[0:1, :]),
         part(hb_ref, mpb_ref, b1p_ref[1:2, :])], axis=1)


def _fin_body(r_ref, w2_ref, b2_ref, wfc_ref, bfc_ref, o_ref):
    h = jnp.dot(r_ref[...], w2_ref[...],
                preferred_element_type=jnp.float32) / N + b2_ref[...]
    val = jnp.sum(h * wfc_ref[...]) + bfc_ref[0, 0]
    o_ref[...] = jax.nn.sigmoid(val.reshape(1, 1) / 28.0)


def kernel(x, edge_index, W1, b1, W2, b2, Wfc, bfc):
    src = edge_index[0].astype(jnp.int32)
    dst = edge_index[1].astype(jnp.int32)
    pad = jnp.full((EP - E0,), N, jnp.int32)
    srcp = jnp.concatenate([src, pad])
    dstp = jnp.concatenate([dst, pad])
    dummy = jnp.full((16, NBG - NBATCH, BATCH), N, jnp.int32)
    src3d = jnp.concatenate([srcp.reshape(16, NBATCH, BATCH), dummy], axis=1)
    dst3d = jnp.concatenate([dstp.reshape(16, NBATCH, BATCH), dummy], axis=1)
    zeros1 = jnp.zeros((NP,), jnp.float32)
    zrows = jnp.zeros((STRIPE, FC), jnp.float32)

    mesh = plsc.VectorSubcoreMesh(core_axis_name="c", subcore_axis_name="s",
                                  num_cores=2, num_subcores=16)
    degparts = _make_deg_kernel(mesh)(dstp, zeros1)

    dinv = pl.pallas_call(
        _dinv_body,
        in_specs=[pl.BlockSpec((32, NP), lambda: (0, 0))],
        out_specs=pl.BlockSpec((1, NP), lambda: (0, 0)),
        out_shape=jax.ShapeDtypeStruct((1, NP), jnp.float32),
    )(degparts)
    dinv1d = dinv.reshape(NP)

    w1d = jnp.kron(jnp.eye(28, dtype=jnp.float32), W1.astype(jnp.float32))
    w1A = jnp.concatenate([w1d[:, 0:FC], w1d[:, 2 * FC:3 * FC]], axis=1)
    w1B = jnp.concatenate([w1d[:, FC:2 * FC], w1d[:, 3 * FC:4 * FC]], axis=1)
    mp_spec = pl.BlockSpec((NBS2, FC), lambda i: (i, 0))

    def mmpair(w1p):
        return pl.pallas_call(
            _mmpair_body,
            grid=(NB2,),
            in_specs=[pl.BlockSpec((NBS2, 784), lambda i: (i, 0)),
                      pl.BlockSpec((784, 2 * FC), lambda i: (0, 0)),
                      pl.BlockSpec((NBS2, 1), lambda i: (i, 0))],
            out_specs=[mp_spec, mp_spec],
            out_shape=[jax.ShapeDtypeStruct((NP, FC), jnp.float32)] * 2,
        )(x, w1p, dinv.reshape(NP, 1))

    mp0, mp2 = mmpair(w1A)
    h0, h2, caccparts = _make_mpA_kernel(mesh)(
        src3d, dst3d, mp0, mp2, dinv1d, zrows, zeros1)
    mp1, mp3 = mmpair(w1B)
    h1, h3 = _make_mpB_kernel(mesh)(src3d, dst3d, mp1, mp3, zrows)

    b1tile = jnp.tile(b1.astype(jnp.float32), 28)
    b1A = jnp.stack([b1tile[0:FC], b1tile[2 * FC:3 * FC]])
    b1B = jnp.stack([b1tile[FC:2 * FC], b1tile[3 * FC:4 * FC]])

    def redpair(ha, hb, mpa, mpb, b1p):
        return pl.pallas_call(
            _redpair_body,
            grid=(NB,),
            in_specs=[pl.BlockSpec((NBS, FC), lambda i: (i, 0)),
                      pl.BlockSpec((NBS, FC), lambda i: (i, 0)),
                      pl.BlockSpec((NBS, FC), lambda i: (i, 0)),
                      pl.BlockSpec((NBS, FC), lambda i: (i, 0)),
                      pl.BlockSpec((2, NBS), lambda i: (0, i)),
                      pl.BlockSpec((1, NBS), lambda i: (0, i)),
                      pl.BlockSpec((2, FC), lambda i: (0, 0))],
            out_specs=pl.BlockSpec((1, 2 * FC), lambda i: (0, 0)),
            out_shape=jax.ShapeDtypeStruct((1, 2 * FC), jnp.float32),
        )(ha, hb, mpa, mpb, caccparts, dinv, b1p)

    rA = redpair(h0, h2, mp0, mp2, b1A)
    rB = redpair(h1, h3, mp1, mp3, b1B)
    r448 = jnp.concatenate([rA[:, :FC], rB[:, :FC], rA[:, FC:], rB[:, FC:]],
                           axis=1)
    r28 = r448.reshape(28, 16)
    out = pl.pallas_call(
        _fin_body,
        in_specs=[pl.BlockSpec((28, 16), lambda: (0, 0)),
                  pl.BlockSpec((16, 32), lambda: (0, 0)),
                  pl.BlockSpec((1, 32), lambda: (0, 0)),
                  pl.BlockSpec((28, 32), lambda: (0, 0)),
                  pl.BlockSpec((1, 1), lambda: (0, 0))],
        out_specs=pl.BlockSpec((1, 1), lambda: (0, 0)),
        out_shape=jax.ShapeDtypeStruct((1, 1), jnp.float32),
    )(r28, W2.astype(jnp.float32), b2.reshape(1, 32),
      Wfc.reshape(28, 32), bfc.reshape(1, 1))
    return out

# --- scband reference (transcript-rebuilt; emitter-appended) ---
"""Pipeline reference for scband-gcn-4449586118681 (READ-ONLY COPY).

The authoritative reference and input builder live on the scoring server;
editing this copy changes nothing except your own understanding.
"""

import jax, jax.numpy as jnp
import numpy as np

N_NODES = 10000
N_EDGES = 100000


def _gcn_conv(x, W, b, src, dst, n):
    # PyG-style GCNConv: linear (no bias) -> symmetric-normalized scatter-add -> +bias
    deg = jnp.zeros((n,), jnp.float32).at[dst].add(1.0)
    dinv = jax.lax.rsqrt(jnp.clip(deg, 1.0))
    norm = dinv[src] * dinv[dst]
    h = x @ W  # [n, 28, c_out]
    msg = h[src] * norm[:, None, None]
    out = jnp.zeros((n,) + h.shape[1:], jnp.float32).at[dst].add(msg)
    return out + b


def setup_inputs(seed: int = 0) -> dict:
    key = jax.random.key(seed)
    ks = jax.random.split(key, 8)
    x = jax.random.normal(ks[0], (N_NODES, 784), dtype=jnp.float32)
    edge_index = jax.random.randint(ks[1], (2, N_EDGES), 0, N_NODES)
    W1 = jax.random.normal(ks[2], (28, 16), dtype=jnp.float32) / np.sqrt(28.0)
    b1 = jnp.zeros((16,), jnp.float32)
    W2 = jax.random.normal(ks[3], (16, 32), dtype=jnp.float32) / np.sqrt(16.0)
    b2 = jnp.zeros((32,), jnp.float32)
    Wfc = jax.random.normal(ks[4], (28 * 32, 1), dtype=jnp.float32) / np.sqrt(28.0 * 32.0)
    bfc = jnp.zeros((1,), jnp.float32)
    return {"x": x, "edge_index": edge_index, "W1": W1, "b1": b1, "W2": W2, "b2": b2, "Wfc": Wfc, "bfc": bfc}


def reference(x, edge_index, W1, b1, W2, b2, Wfc, bfc):
    n = x.shape[0]
    xg = x.reshape(-1, 28, 28)
    # add self loops (PyG GCNConv default)
    loop = jnp.arange(n)
    src = jnp.concatenate([edge_index[0], loop])
    dst = jnp.concatenate([edge_index[1], loop])
    h = _gcn_conv(xg, W1, b1, src, dst, n)
    h = jax.nn.relu(h)
    # F.dropout(training=self.training) -> identity in eval mode
    h = _gcn_conv(h, W2, b2, src, dst, n)
    h = h.reshape(n, -1)               # [n, 28*32]
    h = jnp.mean(h, axis=0, keepdims=True)  # [1, 896]
    h = h @ Wfc + bfc                  # [1, 1]
    h = h / 28.0
    h = jax.nn.sigmoid(h)
    return h.reshape(-1, 1)

if __name__ == "__main__":
    import jax
    _d = setup_inputs()
    print(jax.jit(kernel)(*tuple(_d.values())))

</pallas_src>

<mosaic_0001>
#map = affine_map<(d0, d1) -> (0, 0, 0)>
#map1 = affine_map<(d0, d1) -> (0, 0)>
module attributes {stable_mosaic.version = 14 : i64} {
  func.func @_mpB_body(%arg0: i32, %arg1: i32, %arg2: memref<16x52x128xi32, #tpu.memory_space<hbm>>, %arg3: memref<16x52x128xi32, #tpu.memory_space<hbm>>, %arg4: memref<10240x112xf32, #tpu.memory_space<hbm>>, %arg5: memref<10240x112xf32, #tpu.memory_space<hbm>>, %arg6: memref<640x112xf32, #tpu.memory_space<hbm>>, %arg7: memref<10240x112xf32, #tpu.memory_space<hbm>>, %arg8: memref<10240x112xf32, #tpu.memory_space<hbm>>, %arg9: memref<52x128xi32, #tpu.memory_space<vmem>>, %arg10: memref<52x128xi32, #tpu.memory_space<vmem>>, %arg11: memref<128x112xf32, #tpu.memory_space<vmem>>, %arg12: memref<!tpu.dma_semaphore, #tpu.memory_space<semaphore_mem>>, %arg13: memref<10240x112xf32, #tpu.memory_space<vmem_shared>>) attributes {dimension_semantics = [#tpu.dimension_semantics<core_parallel>, #tpu.dimension_semantics<subcore_parallel>], iteration_bounds = array<i64: 2, 16>, scalar_prefetch = 0 : i64, scratch_operands = 5 : i64, tpu.core_type = #tpu.core_type<sc_vector_subcore>, window_params = [{transform_indices = #map}, {transform_indices = #map}, {transform_indices = #map1}, {transform_indices = #map1}, {transform_indices = #map1}, {transform_indices = #map1}, {transform_indices = #map1}]} {
    %mul3A = arith.constant 640 : i32
    %mul3A_0 = arith.muli %arg1, %mul3A : i32
    "tpu.region"() ({
      %run_scoped3A = tpu.sem_alloc : memref<!tpu.dma_semaphore, #tpu.memory_space<semaphore_mem>>
      %dma_start3A = arith.constant 0 : i32
      %dma_start3A_8 = arith.constant 0 : i32
      %dma_start3A_9 = tpu.memref_slice %arg2[%arg1, %dma_start3A, %dma_start3A_8] : memref<16x52x128xi32, #tpu.memory_space<hbm>> -> memref<1x52x128xi32, #tpu.memory_space<hbm>>
      %dma_start3A_10 = tpu.memref_squeeze %dma_start3A_9 : memref<1x52x128xi32, #tpu.memory_space<hbm>> -> memref<52x128xi32, #tpu.memory_space<hbm>>
      %dma_start3A_11 = arith.constant 0 : i32
      %dma_start3A_12 = arith.constant 0 : i32
      %dma_start3A_13 = tpu.memref_slice %arg2[%arg1, %dma_start3A_11, %dma_start3A_12] : memref<16x52x128xi32, #tpu.memory_space<hbm>> -> memref<1x52x128xi32, #tpu.memory_space<hbm>>
      %dma_start3A_14 = tpu.memref_squeeze %dma_start3A_13 : memref<1x52x128xi32, #tpu.memory_space<hbm>> -> memref<52x128xi32, #tpu.memory_space<hbm>>
      tpu.enqueue_dma source(%dma_start3A_14 : memref<52x128xi32, #tpu.memory_space<hbm>>) target(%arg9 : memref<52x128xi32, #tpu.memory_space<vmem>>) target_semaphore(%run_scoped3A : memref<!tpu.dma_semaphore, #tpu.memory_space<semaphore_mem>>)
      %dma_wait3A = arith.constant 0 : i32
      %dma_wait3A_15 = arith.constant 0 : i32
      %dma_wait3A_16 = tpu.memref_slice %arg2[%arg1, %dma_wait3A, %dma_wait3A_15] : memref<16x52x128xi32, #tpu.memory_space<hbm>> -> memref<1x52x128xi32, #tpu.memory_space<hbm>>
      %dma_wait3A_17 = tpu.memref_squeeze %dma_wait3A_16 : memref<1x52x128xi32, #tpu.memory_space<hbm>> -> memref<52x128xi32, #tpu.memory_space<hbm>>
      %dma_wait3A_18 = arith.constant 0 : i32
      %dma_wait3A_19 = arith.constant 0 : i32
      %dma_wait3A_20 = tpu.memref_slice %arg2[%arg1, %dma_wait3A_18, %dma_wait3A_19] : memref<16x52x128xi32, #tpu.memory_space<hbm>> -> memref<1x52x128xi32, #tpu.memory_space<hbm>>
      %dma_wait3A_21 = tpu.memref_squeeze %dma_wait3A_20 : memref<1x52x128xi32, #tpu.memory_space<hbm>> -> memref<52x128xi32, #tpu.memory_space<hbm>>
      tpu.wait_dma2 semaphore(%run_scoped3A : memref<!tpu.dma_semaphore, #tpu.memory_space<semaphore_mem>>) src(%dma_wait3A_21 : memref<52x128xi32, #tpu.memory_space<hbm>>) dst(%arg9 : memref<52x128xi32, #tpu.memory_space<vmem>>)
      tpu.yield
    }) : () -> ()
    "tpu.region"() ({
      %run_scoped3A = tpu.sem_alloc : memref<!tpu.dma_semaphore, #tpu.memory_space<semaphore_mem>>
      %dma_start3A = arith.constant 0 : i32
      %dma_start3A_8 = arith.constant 0 : i32
      %dma_start3A_9 = tpu.memref_slice %arg3[%arg1, %dma_start3A, %dma_start3A_8] : memref<16x52x128xi32, #tpu.memory_space<hbm>> -> memref<1x52x128xi32, #tpu.memory_space<hbm>>
      %dma_start3A_10 = tpu.memref_squeeze %dma_start3A_9 : memref<1x52x128xi32, #tpu.memory_space<hbm>> -> memref<52x128xi32, #tpu.memory_space<hbm>>
      %dma_start3A_11 = arith.constant 0 : i32
      %dma_start3A_12 = arith.constant 0 : i32
      %dma_start3A_13 = tpu.memref_slice %arg3[%arg1, %dma_start3A_11, %dma_start3A_12] : memref<16x52x128xi32, #tpu.memory_space<hbm>> -> memref<1x52x128xi32, #tpu.memory_space<hbm>>
      %dma_start3A_14 = tpu.memref_squeeze %dma_start3A_13 : memref<1x52x128xi32, #tpu.memory_space<hbm>> -> memref<52x128xi32, #tpu.memory_space<hbm>>
      tpu.enqueue_dma source(%dma_start3A_14 : memref<52x128xi32, #tpu.memory_space<hbm>>) target(%arg10 : memref<52x128xi32, #tpu.memory_space<vmem>>) target_semaphore(%run_scoped3A : memref<!tpu.dma_semaphore, #tpu.memory_space<semaphore_mem>>)
      %dma_wait3A = arith.constant 0 : i32
      %dma_wait3A_15 = arith.constant 0 : i32
      %dma_wait3A_16 = tpu.memref_slice %arg3[%arg1, %dma_wait3A, %dma_wait3A_15] : memref<16x52x128xi32, #tpu.memory_space<hbm>> -> memref<1x52x128xi32, #tpu.memory_space<hbm>>
      %dma_wait3A_17 = tpu.memref_squeeze %dma_wait3A_16 : memref<1x52x128xi32, #tpu.memory_space<hbm>> -> memref<52x128xi32, #tpu.memory_space<hbm>>
      %dma_wait3A_18 = arith.constant 0 : i32
      %dma_wait3A_19 = arith.constant 0 : i32
      %dma_wait3A_20 = tpu.memref_slice %arg3[%arg1, %dma_wait3A_18, %dma_wait3A_19] : memref<16x52x128xi32, #tpu.memory_space<hbm>> -> memref<1x52x128xi32, #tpu.memory_space<hbm>>
      %dma_wait3A_21 = tpu.memref_squeeze %dma_wait3A_20 : memref<1x52x128xi32, #tpu.memory_space<hbm>> -> memref<52x128xi32, #tpu.memory_space<hbm>>
      tpu.wait_dma2 semaphore(%run_scoped3A : memref<!tpu.dma_semaphore, #tpu.memory_space<semaphore_mem>>) src(%dma_wait3A_21 : memref<52x128xi32, #tpu.memory_space<hbm>>) dst(%arg10 : memref<52x128xi32, #tpu.memory_space<vmem>>)
      tpu.yield
    }) : () -> ()
    %eq3A = arith.constant 0 : i32
    %eq3A_1 = arith.cmpi eq, %arg0, %eq3A : i32
    %convert_element_type3A = arith.extui %eq3A_1 : i1 to i32
    %cond3A = arith.constant 0 : i32
    %cond3A_2 = arith.cmpi ne, %convert_element_type3A, %cond3A : i32
    scf.if %cond3A_2 {
      "tpu.region"() ({
        %run_scoped3A = tpu.sem_alloc : memref<!tpu.dma_semaphore, #tpu.memory_space<semaphore_mem>>
        %dma_start3A = arith.constant 0 : i32
        %dma_start3A_15 = tpu.memref_slice %arg13[%mul3A_0, %dma_start3A] : memref<10240x112xf32, #tpu.memory_space<vmem_shared>> -> memref<640x112xf32, #tpu.memory_space<vmem_shared>>
        tpu.enqueue_dma source(%arg6 : memref<640x112xf32, #tpu.memory_space<hbm>>) target(%dma_start3A_15 : memref<640x112xf32, #tpu.memory_space<vmem_shared>>) target_semaphore(%run_scoped3A : memref<!tpu.dma_semaphore, #tpu.memory_space<semaphore_mem>>)
        %dma_wait3A = arith.constant 0 : i32
        %dma_wait3A_16 = tpu.memref_slice %arg13[%mul3A_0, %dma_wait3A] : memref<10240x112xf32, #tpu.memory_space<vmem_shared>> -> memref<640x112xf32, #tpu.memory_space<vmem_shared>>
        tpu.wait_dma2 semaphore(%run_scoped3A : memref<!tpu.dma_semaphore, #tpu.memory_space<semaphore_mem>>) src(%arg6 : memref<640x112xf32, #tpu.memory_space<hbm>>) dst(%dma_wait3A_16 : memref<640x112xf32, #tpu.memory_space<vmem_shared>>)
        tpu.yield
      }) : () -> ()
      %barrier3A = arith.constant 0 : index
      tpu.barrier barrier_id(%barrier3A)
      %scan3A = arith.constant 0 : i32
      %scan3A_8 = arith.constant 0 : i32
      %scan3A_9 = arith.constant 50 : i32
      %scan3A_10 = arith.addi %scan3A_8, %scan3A_9 : i32
      %scan3A_11 = arith.constant 1 : i32
      scf.for %scan3A_15 = %scan3A_8 to %scan3A_10 step %scan3A_11  : i32 {
        %dma_start3A = arith.constant 0 : i32
        %dma_start3A_16 = tpu.memref_slice %arg9[%scan3A_15, %dma_start3A] : memref<52x128xi32, #tpu.memory_space<vmem>> -> memref<1x128xi32, #tpu.memory_space<vmem>>
        %dma_start3A_17 = tpu.memref_squeeze %dma_start3A_16 : memref<1x128xi32, #tpu.memory_space<vmem>> -> memref<128xi32, #tpu.memory_space<vmem>>
        %dma_start3A_18 = arith.constant 0 : i32
        %dma_start3A_19 = arith.constant 0 : i32
        %dma_start3A_20 = tpu.memref_slice %arg4[%dma_start3A_18, %dma_start3A_19] : memref<10240x112xf32, #tpu.memory_space<hbm>> -> memref<10240x112xf32, #tpu.memory_space<hbm>>
        tpu.enqueue_indirect_dma source(%dma_start3A_20 : memref<10240x112xf32, #tpu.memory_space<hbm>>) target(%arg11 : memref<128x112xf32, #tpu.memory_space<vmem>>) offsets(%dma_start3A_17 : memref<128xi32, #tpu.memory_space<vmem>>) semaphore(%arg12 : memref<!tpu.dma_semaphore, #tpu.memory_space<semaphore_mem>>)
        %dma_wait3A = arith.constant 0 : i32
        %dma_wait3A_21 = tpu.memref_slice %arg9[%scan3A_15, %dma_wait3A] : memref<52x128xi32, #tpu.memory_space<vmem>> -> memref<1x128xi32, #tpu.memory_space<vmem>>
        %dma_wait3A_22 = tpu.memref_squeeze %dma_wait3A_21 : memref<1x128xi32, #tpu.memory_space<vmem>> -> memref<128xi32, #tpu.memory_space<vmem>>
        %dma_wait3A_23 = arith.constant 0 : i32
        %dma_wait3A_24 = arith.constant 0 : i32
        %dma_wait3A_25 = tpu.memref_slice %arg4[%dma_wait3A_23, %dma_wait3A_24] : memref<10240x112xf32, #tpu.memory_space<hbm>> -> memref<10240x112xf32, #tpu.memory_space<hbm>>
        tpu.wait_indirect_dma semaphore(%arg12 : memref<!tpu.dma_semaphore, #tpu.memory_space<semaphore_mem>>) src(%dma_wait3A_25 : memref<10240x112xf32, #tpu.memory_space<hbm>>) dst(%arg11 : memref<128x112xf32, #tpu.memory_space<vmem>>)
        "tpu.region"() ({
          %run_scoped3A = tpu.sem_alloc : memref<!tpu.dma_semaphore, #tpu.memory_space<semaphore_mem>>
          %dma_start3A_26 = arith.constant 0 : i32
          %dma_start3A_27 = tpu.memref_slice %arg10[%scan3A_15, %dma_start3A_26] : memref<52x128xi32, #tpu.memory_space<vmem>> -> memref<1x128xi32, #tpu.memory_space<vmem>>
          %dma_start3A_28 = tpu.memref_squeeze %dma_start3A_27 : memref<1x128xi32, #tpu.memory_space<vmem>> -> memref<128xi32, #tpu.memory_space<vmem>>
          %dma_start3A_29 = arith.constant 0 : i32
          %dma_start3A_30 = arith.constant 0 : i32
          %dma_start3A_31 = tpu.memref_slice %arg13[%dma_start3A_29, %dma_start3A_30] : memref<10240x112xf32, #tpu.memory_space<vmem_shared>> -> memref<10240x112xf32, #tpu.memory_space<vmem_shared>>
          tpu.enqueue_indirect_dma source(%arg11 : memref<128x112xf32, #tpu.memory_space<vmem>>) target(%dma_start3A_31 : memref<10240x112xf32, #tpu.memory_space<vmem_shared>>) offsets(%dma_start3A_28 : memref<128xi32, #tpu.memory_space<vmem>>) semaphore(%run_scoped3A : memref<!tpu.dma_semaphore, #tpu.memory_space<semaphore_mem>>) {add = true}
          %dma_wait3A_32 = arith.constant 0 : i32
          %dma_wait3A_33 = tpu.memref_slice %arg10[%scan3A_15, %dma_wait3A_32] : memref<52x128xi32, #tpu.memory_space<vmem>> -> memref<1x128xi32, #tpu.memory_space<vmem>>
          %dma_wait3A_34 = tpu.memref_squeeze %dma_wait3A_33 : memref<1x128xi32, #tpu.memory_space<vmem>> -> memref<128xi32, #tpu.memory_space<vmem>>
          %dma_wait3A_35 = arith.constant 0 : i32
          %dma_wait3A_36 = arith.constant 0 : i32
          %dma_wait3A_37 = tpu.memref_slice %arg13[%dma_wait3A_35, %dma_wait3A_36] : memref<10240x112xf32, #tpu.memory_space<vmem_shared>> -> memref<10240x112xf32, #tpu.memory_space<vmem_shared>>
          tpu.wait_indirect_dma semaphore(%run_scoped3A : memref<!tpu.dma_semaphore, #tpu.memory_space<semaphore_mem>>) src(%arg11 : memref<128x112xf32, #tpu.memory_space<vmem>>) dst(%dma_wait3A_37 : memref<10240x112xf32, #tpu.memory_space<vmem_shared>>)
          tpu.yield
        }) : () -> ()
      }
      %scan3A_12 = arith.constant 50 : i32
      %barrier3A_13 = arith.constant 0 : index
      tpu.barrier barrier_id(%barrier3A_13)
      "tpu.region"() ({
        %run_scoped3A = tpu.sem_alloc : memref<!tpu.dma_semaphore, #tpu.memory_space<semaphore_mem>>
        %dma_start3A = arith.constant 0 : i32
        %dma_start3A_15 = tpu.memref_slice %arg7[%mul3A_0, %dma_start3A] : memref<10240x112xf32, #tpu.memory_space<hbm>> -> memref<640x112xf32, #tpu.memory_space<hbm>>
        %dma_start3A_16 = arith.constant 0 : i32
        %dma_start3A_17 = tpu.memref_slice %arg13[%mul3A_0, %dma_start3A_16] : memref<10240x112xf32, #tpu.memory_space<vmem_shared>> -> memref<640x112xf32, #tpu.memory_space<vmem_shared>>
        tpu.enqueue_dma source(%dma_start3A_17 : memref<640x112xf32, #tpu.memory_space<vmem_shared>>) target(%dma_start3A_15 : memref<640x112xf32, #tpu.memory_space<hbm>>) target_semaphore(%run_scoped3A : memref<!tpu.dma_semaphore, #tpu.memory_space<semaphore_mem>>)
        %dma_wait3A = arith.constant 0 : i32
        %dma_wait3A_18 = tpu.memref_slice %arg7[%mul3A_0, %dma_wait3A] : memref<10240x112xf32, #tpu.memory_space<hbm>> -> memref<640x112xf32, #tpu.memory_space<hbm>>
        %dma_wait3A_19 = arith.constant 0 : i32
        %dma_wait3A_20 = tpu.memref_slice %arg13[%mul3A_0, %dma_wait3A_19] : memref<10240x112xf32, #tpu.memory_space<vmem_shared>> -> memref<640x112xf32, #tpu.memory_space<vmem_shared>>
        tpu.wait_dma2 semaphore(%run_scoped3A : memref<!tpu.dma_semaphore, #tpu.memory_space<semaphore_mem>>) src(%dma_wait3A_20 : memref<640x112xf32, #tpu.memory_space<vmem_shared>>) dst(%dma_wait3A_18 : memref<640x112xf32, #tpu.memory_space<hbm>>)
        tpu.yield
      }) : () -> ()
      %barrier3A_14 = arith.constant 0 : index
      tpu.barrier barrier_id(%barrier3A_14)
    } else {
    }
    %eq3A_3 = arith.constant 1 : i32
    %eq3A_4 = arith.cmpi eq, %arg0, %eq3A_3 : i32
    %convert_element_type3A_5 = arith.extui %eq3A_4 : i1 to i32
    %cond3A_6 = arith.constant 0 : i32
    %cond3A_7 = arith.cmpi ne, %convert_element_type3A_5, %cond3A_6 : i32
    scf.if %cond3A_7 {
      "tpu.region"() ({
        %run_scoped3A = tpu.sem_alloc : memref<!tpu.dma_semaphore, #tpu.memory_space<semaphore_mem>>
        %dma_start3A = arith.constant 0 : i32
        %dma_start3A_15 = tpu.memref_slice %arg13[%mul3A_0, %dma_start3A] : memref<10240x112xf32, #tpu.memory_space<vmem_shared>> -> memref<640x112xf32, #tpu.memory_space<vmem_shared>>
        tpu.enqueue_dma source(%arg6 : memref<640x112xf32, #tpu.memory_space<hbm>>) target(%dma_start3A_15 : memref<640x112xf32, #tpu.memory_space<vmem_shared>>) target_semaphore(%run_scoped3A : memref<!tpu.dma_semaphore, #tpu.memory_space<semaphore_mem>>)
        %dma_wait3A = arith.constant 0 : i32
        %dma_wait3A_16 = tpu.memref_slice %arg13[%mul3A_0, %dma_wait3A] : memref<10240x112xf32, #tpu.memory_space<vmem_shared>> -> memref<640x112xf32, #tpu.memory_space<vmem_shared>>
        tpu.wait_dma2 semaphore(%run_scoped3A : memref<!tpu.dma_semaphore, #tpu.memory_space<semaphore_mem>>) src(%arg6 : memref<640x112xf32, #tpu.memory_space<hbm>>) dst(%dma_wait3A_16 : memref<640x112xf32, #tpu.memory_space<vmem_shared>>)
        tpu.yield
      }) : () -> ()
      %barrier3A = arith.constant 0 : index
      tpu.barrier barrier_id(%barrier3A)
      %scan3A = arith.constant 0 : i32
      %scan3A_8 = arith.constant 0 : i32
      %scan3A_9 = arith.constant 50 : i32
      %scan3A_10 = arith.addi %scan3A_8, %scan3A_9 : i32
      %scan3A_11 = arith.constant 1 : i32
      scf.for %scan3A_15 = %scan3A_8 to %scan3A_10 step %scan3A_11  : i32 {
        %dma_start3A = arith.constant 0 : i32
        %dma_start3A_16 = tpu.memref_slice %arg9[%scan3A_15, %dma_start3A] : memref<52x128xi32, #tpu.memory_space<vmem>> -> memref<1x128xi32, #tpu.memory_space<vmem>>
        %dma_start3A_17 = tpu.memref_squeeze %dma_start3A_16 : memref<1x128xi32, #tpu.memory_space<vmem>> -> memref<128xi32, #tpu.memory_space<vmem>>
        %dma_start3A_18 = arith.constant 0 : i32
        %dma_start3A_19 = arith.constant 0 : i32
        %dma_start3A_20 = tpu.memref_slice %arg5[%dma_start3A_18, %dma_start3A_19] : memref<10240x112xf32, #tpu.memory_space<hbm>> -> memref<10240x112xf32, #tpu.memory_space<hbm>>
        tpu.enqueue_indirect_dma source(%dma_start3A_20 : memref<10240x112xf32, #tpu.memory_space<hbm>>) target(%arg11 : memref<128x112xf32, #tpu.memory_space<vmem>>) offsets(%dma_start3A_17 : memref<128xi32, #tpu.memory_space<vmem>>) semaphore(%arg12 : memref<!tpu.dma_semaphore, #tpu.memory_space<semaphore_mem>>)
        %dma_wait3A = arith.constant 0 : i32
        %dma_wait3A_21 = tpu.memref_slice %arg9[%scan3A_15, %dma_wait3A] : memref<52x128xi32, #tpu.memory_space<vmem>> -> memref<1x128xi32, #tpu.memory_space<vmem>>
        %dma_wait3A_22 = tpu.memref_squeeze %dma_wait3A_21 : memref<1x128xi32, #tpu.memory_space<vmem>> -> memref<128xi32, #tpu.memory_space<vmem>>
        %dma_wait3A_23 = arith.constant 0 : i32
        %dma_wait3A_24 = arith.constant 0 : i32
        %dma_wait3A_25 = tpu.memref_slice %arg5[%dma_wait3A_23, %dma_wait3A_24] : memref<10240x112xf32, #tpu.memory_space<hbm>> -> memref<10240x112xf32, #tpu.memory_space<hbm>>
        tpu.wait_indirect_dma semaphore(%arg12 : memref<!tpu.dma_semaphore, #tpu.memory_space<semaphore_mem>>) src(%dma_wait3A_25 : memref<10240x112xf32, #tpu.memory_space<hbm>>) dst(%arg11 : memref<128x112xf32, #tpu.memory_space<vmem>>)
        "tpu.region"() ({
          %run_scoped3A = tpu.sem_alloc : memref<!tpu.dma_semaphore, #tpu.memory_space<semaphore_mem>>
          %dma_start3A_26 = arith.constant 0 : i32
          %dma_start3A_27 = tpu.memref_slice %arg10[%scan3A_15, %dma_start3A_26] : memref<52x128xi32, #tpu.memory_space<vmem>> -> memref<1x128xi32, #tpu.memory_space<vmem>>
          %dma_start3A_28 = tpu.memref_squeeze %dma_start3A_27 : memref<1x128xi32, #tpu.memory_space<vmem>> -> memref<128xi32, #tpu.memory_space<vmem>>
          %dma_start3A_29 = arith.constant 0 : i32
          %dma_start3A_30 = arith.constant 0 : i32
          %dma_start3A_31 = tpu.memref_slice %arg13[%dma_start3A_29, %dma_start3A_30] : memref<10240x112xf32, #tpu.memory_space<vmem_shared>> -> memref<10240x112xf32, #tpu.memory_space<vmem_shared>>
          tpu.enqueue_indirect_dma source(%arg11 : memref<128x112xf32, #tpu.memory_space<vmem>>) target(%dma_start3A_31 : memref<10240x112xf32, #tpu.memory_space<vmem_shared>>) offsets(%dma_start3A_28 : memref<128xi32, #tpu.memory_space<vmem>>) semaphore(%run_scoped3A : memref<!tpu.dma_semaphore, #tpu.memory_space<semaphore_mem>>) {add = true}
          %dma_wait3A_32 = arith.constant 0 : i32
          %dma_wait3A_33 = tpu.memref_slice %arg10[%scan3A_15, %dma_wait3A_32] : memref<52x128xi32, #tpu.memory_space<vmem>> -> memref<1x128xi32, #tpu.memory_space<vmem>>
          %dma_wait3A_34 = tpu.memref_squeeze %dma_wait3A_33 : memref<1x128xi32, #tpu.memory_space<vmem>> -> memref<128xi32, #tpu.memory_space<vmem>>
          %dma_wait3A_35 = arith.constant 0 : i32
          %dma_wait3A_36 = arith.constant 0 : i32
          %dma_wait3A_37 = tpu.memref_slice %arg13[%dma_wait3A_35, %dma_wait3A_36] : memref<10240x112xf32, #tpu.memory_space<vmem_shared>> -> memref<10240x112xf32, #tpu.memory_space<vmem_shared>>
          tpu.wait_indirect_dma semaphore(%run_scoped3A : memref<!tpu.dma_semaphore, #tpu.memory_space<semaphore_mem>>) src(%arg11 : memref<128x112xf32, #tpu.memory_space<vmem>>) dst(%dma_wait3A_37 : memref<10240x112xf32, #tpu.memory_space<vmem_shared>>)
          tpu.yield
        }) : () -> ()
      }
      %scan3A_12 = arith.constant 50 : i32
      %barrier3A_13 = arith.constant 0 : index
      tpu.barrier barrier_id(%barrier3A_13)
      "tpu.region"() ({
        %run_scoped3A = tpu.sem_alloc : memref<!tpu.dma_semaphore, #tpu.memory_space<semaphore_mem>>
        %dma_start3A = arith.constant 0 : i32
        %dma_start3A_15 = tpu.memref_slice %arg8[%mul3A_0, %dma_start3A] : memref<10240x112xf32, #tpu.memory_space<hbm>> -> memref<640x112xf32, #tpu.memory_space<hbm>>
        %dma_start3A_16 = arith.constant 0 : i32
        %dma_start3A_17 = tpu.memref_slice %arg13[%mul3A_0, %dma_start3A_16] : memref<10240x112xf32, #tpu.memory_space<vmem_shared>> -> memref<640x112xf32, #tpu.memory_space<vmem_shared>>
        tpu.enqueue_dma source(%dma_start3A_17 : memref<640x112xf32, #tpu.memory_space<vmem_shared>>) target(%dma_start3A_15 : memref<640x112xf32, #tpu.memory_space<hbm>>) target_semaphore(%run_scoped3A : memref<!tpu.dma_semaphore, #tpu.memory_space<semaphore_mem>>)
        %dma_wait3A = arith.constant 0 : i32
        %dma_wait3A_18 = tpu.memref_slice %arg8[%mul3A_0, %dma_wait3A] : memref<10240x112xf32, #tpu.memory_space<hbm>> -> memref<640x112xf32, #tpu.memory_space<hbm>>
        %dma_wait3A_19 = arith.constant 0 : i32
        %dma_wait3A_20 = tpu.memref_slice %arg13[%mul3A_0, %dma_wait3A_19] : memref<10240x112xf32, #tpu.memory_space<vmem_shared>> -> memref<640x112xf32, #tpu.memory_space<vmem_shared>>
        tpu.wait_dma2 semaphore(%run_scoped3A : memref<!tpu.dma_semaphore, #tpu.memory_space<semaphore_mem>>) src(%dma_wait3A_20 : memref<640x112xf32, #tpu.memory_space<vmem_shared>>) dst(%dma_wait3A_18 : memref<640x112xf32, #tpu.memory_space<hbm>>)
        tpu.yield
      }) : () -> ()
      %barrier3A_14 = arith.constant 0 : index
      tpu.barrier barrier_id(%barrier3A_14)
    } else {
    }
    return
  }
}

#map = affine_map<(d0, d1) -> (0, 0, 0)>
#map1 = affine_map<(d0, d1) -> (0, 0)>
#map2 = affine_map<(d0, d1) -> (0)>
module attributes {stable_mosaic.version = 14 : i64} {
  func.func @_mpA_body(%arg0: i32, %arg1: i32, %arg2: memref<16x52x128xi32, #tpu.memory_space<hbm>>, %arg3: memref<16x52x128xi32, #tpu.memory_space<hbm>>, %arg4: memref<10240x112xf32, #tpu.memory_space<hbm>>, %arg5: memref<10240x112xf32, #tpu.memory_space<hbm>>, %arg6: memref<10240xf32, #tpu.memory_space<hbm>>, %arg7: memref<640x112xf32, #tpu.memory_space<hbm>>, %arg8: memref<10240xf32, #tpu.memory_space<hbm>>, %arg9: memref<10240x112xf32, #tpu.memory_space<hbm>>, %arg10: memref<10240x112xf32, #tpu.memory_space<hbm>>, %arg11: memref<2x10240xf32, #tpu.memory_space<hbm>>, %arg12: memref<52x128xi32, #tpu.memory_space<vmem>>, %arg13: memref<52x128xi32, #tpu.memory_space<vmem>>, %arg14: memref<128x112xf32, #tpu.memory_space<vmem>>, %arg15: memref<128xf32, #tpu.memory_space<vmem>>, %arg16: memref<!tpu.dma_semaphore, #tpu.memory_space<semaphore_mem>>, %arg17: memref<10240x112xf32, #tpu.memory_space<vmem_shared>>, %arg18: memref<10240xf32, #tpu.memory_space<vmem_shared>>) attributes {dimension_semantics = [#tpu.dimension_semantics<core_parallel>, #tpu.dimension_semantics<subcore_parallel>], iteration_bounds = array<i64: 2, 16>, scalar_prefetch = 0 : i64, scratch_operands = 7 : i64, tpu.core_type = #tpu.core_type<sc_vector_subcore>, window_params = [{transform_indices = #map}, {transform_indices = #map}, {transform_indices = #map1}, {transform_indices = #map1}, {transform_indices = #map2}, {transform_indices = #map1}, {transform_indices = #map2}, {transform_indices = #map1}, {transform_indices = #map1}, {transform_indices = #map1}]} {
    %mul3A = arith.constant 640 : i32
    %mul3A_0 = arith.muli %arg1, %mul3A : i32
    "tpu.region"() ({
      %run_scoped3A = tpu.sem_alloc : memref<!tpu.dma_semaphore, #tpu.memory_space<semaphore_mem>>
      %dma_start3A = arith.constant 0 : i32
      %dma_start3A_8 = arith.constant 0 : i32
      %dma_start3A_9 = tpu.memref_slice %arg2[%arg1, %dma_start3A, %dma_start3A_8] : memref<16x52x128xi32, #tpu.memory_space<hbm>> -> memref<1x52x128xi32, #tpu.memory_space<hbm>>
      %dma_start3A_10 = tpu.memref_squeeze %dma_start3A_9 : memref<1x52x128xi32, #tpu.memory_space<hbm>> -> memref<52x128xi32, #tpu.memory_space<hbm>>
      %dma_start3A_11 = arith.constant 0 : i32
      %dma_start3A_12 = arith.constant 0 : i32
      %dma_start3A_13 = tpu.memref_slice %arg2[%arg1, %dma_start3A_11, %dma_start3A_12] : memref<16x52x128xi32, #tpu.memory_space<hbm>> -> memref<1x52x128xi32, #tpu.memory_space<hbm>>
      %dma_start3A_14 = tpu.memref_squeeze %dma_start3A_13 : memref<1x52x128xi32, #tpu.memory_space<hbm>> -> memref<52x128xi32, #tpu.memory_space<hbm>>
      tpu.enqueue_dma source(%dma_start3A_14 : memref<52x128xi32, #tpu.memory_space<hbm>>) target(%arg12 : memref<52x128xi32, #tpu.memory_space<vmem>>) target_semaphore(%run_scoped3A : memref<!tpu.dma_semaphore, #tpu.memory_space<semaphore_mem>>)
      %dma_wait3A = arith.constant 0 : i32
      %dma_wait3A_15 = arith.constant 0 : i32
      %dma_wait3A_16 = tpu.memref_slice %arg2[%arg1, %dma_wait3A, %dma_wait3A_15] : memref<16x52x128xi32, #tpu.memory_space<hbm>> -> memref<1x52x128xi32, #tpu.memory_space<hbm>>
      %dma_wait3A_17 = tpu.memref_squeeze %dma_wait3A_16 : memref<1x52x128xi32, #tpu.memory_space<hbm>> -> memref<52x128xi32, #tpu.memory_space<hbm>>
      %dma_wait3A_18 = arith.constant 0 : i32
      %dma_wait3A_19 = arith.constant 0 : i32
      %dma_wait3A_20 = tpu.memref_slice %arg2[%arg1, %dma_wait3A_18, %dma_wait3A_19] : memref<16x52x128xi32, #tpu.memory_space<hbm>> -> memref<1x52x128xi32, #tpu.memory_space<hbm>>
      %dma_wait3A_21 = tpu.memref_squeeze %dma_wait3A_20 : memref<1x52x128xi32, #tpu.memory_space<hbm>> -> memref<52x128xi32, #tpu.memory_space<hbm>>
      tpu.wait_dma2 semaphore(%run_scoped3A : memref<!tpu.dma_semaphore, #tpu.memory_space<semaphore_mem>>) src(%dma_wait3A_21 : memref<52x128xi32, #tpu.memory_space<hbm>>) dst(%arg12 : memref<52x128xi32, #tpu.memory_space<vmem>>)
      tpu.yield
    }) : () -> ()
    "tpu.region"() ({
      %run_scoped3A = tpu.sem_alloc : memref<!tpu.dma_semaphore, #tpu.memory_space<semaphore_mem>>
      %dma_start3A = arith.constant 0 : i32
      %dma_start3A_8 = arith.constant 0 : i32
      %dma_start3A_9 = tpu.memref_slice %arg3[%arg1, %dma_start3A, %dma_start3A_8] : memref<16x52x128xi32, #tpu.memory_space<hbm>> -> memref<1x52x128xi32, #tpu.memory_space<hbm>>
      %dma_start3A_10 = tpu.memref_squeeze %dma_start3A_9 : memref<1x52x128xi32, #tpu.memory_space<hbm>> -> memref<52x128xi32, #tpu.memory_space<hbm>>
      %dma_start3A_11 = arith.constant 0 : i32
      %dma_start3A_12 = arith.constant 0 : i32
      %dma_start3A_13 = tpu.memref_slice %arg3[%arg1, %dma_start3A_11, %dma_start3A_12] : memref<16x52x128xi32, #tpu.memory_space<hbm>> -> memref<1x52x128xi32, #tpu.memory_space<hbm>>
      %dma_start3A_14 = tpu.memref_squeeze %dma_start3A_13 : memref<1x52x128xi32, #tpu.memory_space<hbm>> -> memref<52x128xi32, #tpu.memory_space<hbm>>
      tpu.enqueue_dma source(%dma_start3A_14 : memref<52x128xi32, #tpu.memory_space<hbm>>) target(%arg13 : memref<52x128xi32, #tpu.memory_space<vmem>>) target_semaphore(%run_scoped3A : memref<!tpu.dma_semaphore, #tpu.memory_space<semaphore_mem>>)
      %dma_wait3A = arith.constant 0 : i32
      %dma_wait3A_15 = arith.constant 0 : i32
      %dma_wait3A_16 = tpu.memref_slice %arg3[%arg1, %dma_wait3A, %dma_wait3A_15] : memref<16x52x128xi32, #tpu.memory_space<hbm>> -> memref<1x52x128xi32, #tpu.memory_space<hbm>>
      %dma_wait3A_17 = tpu.memref_squeeze %dma_wait3A_16 : memref<1x52x128xi32, #tpu.memory_space<hbm>> -> memref<52x128xi32, #tpu.memory_space<hbm>>
      %dma_wait3A_18 = arith.constant 0 : i32
      %dma_wait3A_19 = arith.constant 0 : i32
      %dma_wait3A_20 = tpu.memref_slice %arg3[%arg1, %dma_wait3A_18, %dma_wait3A_19] : memref<16x52x128xi32, #tpu.memory_space<hbm>> -> memref<1x52x128xi32, #tpu.memory_space<hbm>>
      %dma_wait3A_21 = tpu.memref_squeeze %dma_wait3A_20 : memref<1x52x128xi32, #tpu.memory_space<hbm>> -> memref<52x128xi32, #tpu.memory_space<hbm>>
      tpu.wait_dma2 semaphore(%run_scoped3A : memref<!tpu.dma_semaphore, #tpu.memory_space<semaphore_mem>>) src(%dma_wait3A_21 : memref<52x128xi32, #tpu.memory_space<hbm>>) dst(%arg13 : memref<52x128xi32, #tpu.memory_space<vmem>>)
      tpu.yield
    }) : () -> ()
    %eq3A = arith.constant 0 : i32
    %eq3A_1 = arith.cmpi eq, %arg0, %eq3A : i32
    %convert_element_type3A = arith.extui %eq3A_1 : i1 to i32
    %cond3A = arith.constant 0 : i32
    %cond3A_2 = arith.cmpi ne, %convert_element_type3A, %cond3A : i32
    scf.if %cond3A_2 {
      "tpu.region"() ({
        %run_scoped3A_23 = tpu.sem_alloc : memref<!tpu.dma_semaphore, #tpu.memory_space<semaphore_mem>>
        %dma_start3A = arith.constant 0 : i32
        %dma_start3A_24 = tpu.memref_slice %arg17[%mul3A_0, %dma_start3A] : memref<10240x112xf32, #tpu.memory_space<vmem_shared>> -> memref<640x112xf32, #tpu.memory_space<vmem_shared>>
        tpu.enqueue_dma source(%arg7 : memref<640x112xf32, #tpu.memory_space<hbm>>) target(%dma_start3A_24 : memref<640x112xf32, #tpu.memory_space<vmem_shared>>) target_semaphore(%run_scoped3A_23 : memref<!tpu.dma_semaphore, #tpu.memory_space<semaphore_mem>>)
        %dma_wait3A = arith.constant 0 : i32
        %dma_wait3A_25 = tpu.memref_slice %arg17[%mul3A_0, %dma_wait3A] : memref<10240x112xf32, #tpu.memory_space<vmem_shared>> -> memref<640x112xf32, #tpu.memory_space<vmem_shared>>
        tpu.wait_dma2 semaphore(%run_scoped3A_23 : memref<!tpu.dma_semaphore, #tpu.memory_space<semaphore_mem>>) src(%arg7 : memref<640x112xf32, #tpu.memory_space<hbm>>) dst(%dma_wait3A_25 : memref<640x112xf32, #tpu.memory_space<vmem_shared>>)
        tpu.yield
      }) : () -> ()
      %barrier3A = arith.constant 0 : index
      tpu.barrier barrier_id(%barrier3A)
      %scan3A = arith.constant 0 : i32
      %scan3A_8 = arith.constant 0 : i32
      %scan3A_9 = arith.constant 50 : i32
      %scan3A_10 = arith.addi %scan3A_8, %scan3A_9 : i32
      %scan3A_11 = arith.constant 1 : i32
      scf.for %scan3A_23 = %scan3A_8 to %scan3A_10 step %scan3A_11  : i32 {
        %dma_start3A = arith.constant 0 : i32
        %dma_start3A_24 = tpu.memref_slice %arg12[%scan3A_23, %dma_start3A] : memref<52x128xi32, #tpu.memory_space<vmem>> -> memref<1x128xi32, #tpu.memory_space<vmem>>
        %dma_start3A_25 = tpu.memref_squeeze %dma_start3A_24 : memref<1x128xi32, #tpu.memory_space<vmem>> -> memref<128xi32, #tpu.memory_space<vmem>>
        %dma_start3A_26 = arith.constant 0 : i32
        %dma_start3A_27 = arith.constant 0 : i32
        %dma_start3A_28 = tpu.memref_slice %arg4[%dma_start3A_26, %dma_start3A_27] : memref<10240x112xf32, #tpu.memory_space<hbm>> -> memref<10240x112xf32, #tpu.memory_space<hbm>>
        tpu.enqueue_indirect_dma source(%dma_start3A_28 : memref<10240x112xf32, #tpu.memory_space<hbm>>) target(%arg14 : memref<128x112xf32, #tpu.memory_space<vmem>>) offsets(%dma_start3A_25 : memref<128xi32, #tpu.memory_space<vmem>>) semaphore(%arg16 : memref<!tpu.dma_semaphore, #tpu.memory_space<semaphore_mem>>)
        %dma_wait3A = arith.constant 0 : i32
        %dma_wait3A_29 = tpu.memref_slice %arg12[%scan3A_23, %dma_wait3A] : memref<52x128xi32, #tpu.memory_space<vmem>> -> memref<1x128xi32, #tpu.memory_space<vmem>>
        %dma_wait3A_30 = tpu.memref_squeeze %dma_wait3A_29 : memref<1x128xi32, #tpu.memory_space<vmem>> -> memref<128xi32, #tpu.memory_space<vmem>>
        %dma_wait3A_31 = arith.constant 0 : i32
        %dma_wait3A_32 = arith.constant 0 : i32
        %dma_wait3A_33 = tpu.memref_slice %arg4[%dma_wait3A_31, %dma_wait3A_32] : memref<10240x112xf32, #tpu.memory_space<hbm>> -> memref<10240x112xf32, #tpu.memory_space<hbm>>
        tpu.wait_indirect_dma semaphore(%arg16 : memref<!tpu.dma_semaphore, #tpu.memory_space<semaphore_mem>>) src(%dma_wait3A_33 : memref<10240x112xf32, #tpu.memory_space<hbm>>) dst(%arg14 : memref<128x112xf32, #tpu.memory_space<vmem>>)
        "tpu.region"() ({
          %run_scoped3A_34 = tpu.sem_alloc : memref<!tpu.dma_semaphore, #tpu.memory_space<semaphore_mem>>
          %dma_start3A_35 = arith.constant 0 : i32
          %dma_start3A_36 = tpu.memref_slice %arg13[%scan3A_23, %dma_start3A_35] : memref<52x128xi32, #tpu.memory_space<vmem>> -> memref<1x128xi32, #tpu.memory_space<vmem>>
          %dma_start3A_37 = tpu.memref_squeeze %dma_start3A_36 : memref<1x128xi32, #tpu.memory_space<vmem>> -> memref<128xi32, #tpu.memory_space<vmem>>
          %dma_start3A_38 = arith.constant 0 : i32
          %dma_start3A_39 = arith.constant 0 : i32
          %dma_start3A_40 = tpu.memref_slice %arg17[%dma_start3A_38, %dma_start3A_39] : memref<10240x112xf32, #tpu.memory_space<vmem_shared>> -> memref<10240x112xf32, #tpu.memory_space<vmem_shared>>
          tpu.enqueue_indirect_dma source(%arg14 : memref<128x112xf32, #tpu.memory_space<vmem>>) target(%dma_start3A_40 : memref<10240x112xf32, #tpu.memory_space<vmem_shared>>) offsets(%dma_start3A_37 : memref<128xi32, #tpu.memory_space<vmem>>) semaphore(%run_scoped3A_34 : memref<!tpu.dma_semaphore, #tpu.memory_space<semaphore_mem>>) {add = true}
          %dma_wait3A_41 = arith.constant 0 : i32
          %dma_wait3A_42 = tpu.memref_slice %arg13[%scan3A_23, %dma_wait3A_41] : memref<52x128xi32, #tpu.memory_space<vmem>> -> memref<1x128xi32, #tpu.memory_space<vmem>>
          %dma_wait3A_43 = tpu.memref_squeeze %dma_wait3A_42 : memref<1x128xi32, #tpu.memory_space<vmem>> -> memref<128xi32, #tpu.memory_space<vmem>>
          %dma_wait3A_44 = arith.constant 0 : i32
          %dma_wait3A_45 = arith.constant 0 : i32
          %dma_wait3A_46 = tpu.memref_slice %arg17[%dma_wait3A_44, %dma_wait3A_45] : memref<10240x112xf32, #tpu.memory_space<vmem_shared>> -> memref<10240x112xf32, #tpu.memory_space<vmem_shared>>
          tpu.wait_indirect_dma semaphore(%run_scoped3A_34 : memref<!tpu.dma_semaphore, #tpu.memory_space<semaphore_mem>>) src(%arg14 : memref<128x112xf32, #tpu.memory_space<vmem>>) dst(%dma_wait3A_46 : memref<10240x112xf32, #tpu.memory_space<vmem_shared>>)
          tpu.yield
        }) : () -> ()
      }
      %scan3A_12 = arith.constant 50 : i32
      %barrier3A_13 = arith.constant 0 : index
      tpu.barrier barrier_id(%barrier3A_13)
      "tpu.region"() ({
        %run_scoped3A_23 = tpu.sem_alloc : memref<!tpu.dma_semaphore, #tpu.memory_space<semaphore_mem>>
        %dma_start3A = arith.constant 0 : i32
        %dma_start3A_24 = tpu.memref_slice %arg9[%mul3A_0, %dma_start3A] : memref<10240x112xf32, #tpu.memory_space<hbm>> -> memref<640x112xf32, #tpu.memory_space<hbm>>
        %dma_start3A_25 = arith.constant 0 : i32
        %dma_start3A_26 = tpu.memref_slice %arg17[%mul3A_0, %dma_start3A_25] : memref<10240x112xf32, #tpu.memory_space<vmem_shared>> -> memref<640x112xf32, #tpu.memory_space<vmem_shared>>
        tpu.enqueue_dma source(%dma_start3A_26 : memref<640x112xf32, #tpu.memory_space<vmem_shared>>) target(%dma_start3A_24 : memref<640x112xf32, #tpu.memory_space<hbm>>) target_semaphore(%run_scoped3A_23 : memref<!tpu.dma_semaphore, #tpu.memory_space<semaphore_mem>>)
        %dma_wait3A = arith.constant 0 : i32
        %dma_wait3A_27 = tpu.memref_slice %arg9[%mul3A_0, %dma_wait3A] : memref<10240x112xf32, #tpu.memory_space<hbm>> -> memref<640x112xf32, #tpu.memory_space<hbm>>
        %dma_wait3A_28 = arith.constant 0 : i32
        %dma_wait3A_29 = tpu.memref_slice %arg17[%mul3A_0, %dma_wait3A_28] : memref<10240x112xf32, #tpu.memory_space<vmem_shared>> -> memref<640x112xf32, #tpu.memory_space<vmem_shared>>
        tpu.wait_dma2 semaphore(%run_scoped3A_23 : memref<!tpu.dma_semaphore, #tpu.memory_space<semaphore_mem>>) src(%dma_wait3A_29 : memref<640x112xf32, #tpu.memory_space<vmem_shared>>) dst(%dma_wait3A_27 : memref<640x112xf32, #tpu.memory_space<hbm>>)
        tpu.yield
      }) : () -> ()
      %barrier3A_14 = arith.constant 0 : index
      tpu.barrier barrier_id(%barrier3A_14)
      "tpu.region"() ({
        %run_scoped3A_23 = tpu.sem_alloc : memref<!tpu.dma_semaphore, #tpu.memory_space<semaphore_mem>>
        %dma_start3A = tpu.memref_slice %arg18[%mul3A_0] : memref<10240xf32, #tpu.memory_space<vmem_shared>> -> memref<640xf32, #tpu.memory_space<vmem_shared>>
        %dma_start3A_24 = tpu.memref_slice %arg8[%mul3A_0] : memref<10240xf32, #tpu.memory_space<hbm>> -> memref<640xf32, #tpu.memory_space<hbm>>
        tpu.enqueue_dma source(%dma_start3A_24 : memref<640xf32, #tpu.memory_space<hbm>>) target(%dma_start3A : memref<640xf32, #tpu.memory_space<vmem_shared>>) target_semaphore(%run_scoped3A_23 : memref<!tpu.dma_semaphore, #tpu.memory_space<semaphore_mem>>)
        %dma_wait3A = tpu.memref_slice %arg18[%mul3A_0] : memref<10240xf32, #tpu.memory_space<vmem_shared>> -> memref<640xf32, #tpu.memory_space<vmem_shared>>
        %dma_wait3A_25 = tpu.memref_slice %arg8[%mul3A_0] : memref<10240xf32, #tpu.memory_space<hbm>> -> memref<640xf32, #tpu.memory_space<hbm>>
        tpu.wait_dma2 semaphore(%run_scoped3A_23 : memref<!tpu.dma_semaphore, #tpu.memory_space<semaphore_mem>>) src(%dma_wait3A_25 : memref<640xf32, #tpu.memory_space<hbm>>) dst(%dma_wait3A : memref<640xf32, #tpu.memory_space<vmem_shared>>)
        tpu.yield
      }) : () -> ()
      %barrier3A_15 = arith.constant 0 : index
      tpu.barrier barrier_id(%barrier3A_15)
      %scan3A_16 = arith.constant 0 : i32
      %scan3A_17 = arith.constant 0 : i32
      %scan3A_18 = arith.constant 25 : i32
      %scan3A_19 = arith.addi %scan3A_17, %scan3A_18 : i32
      %scan3A_20 = arith.constant 1 : i32
      scf.for %scan3A_23 = %scan3A_17 to %scan3A_19 step %scan3A_20  : i32 {
        %dma_start3A = arith.constant 0 : i32
        %dma_start3A_24 = tpu.memref_slice %arg13[%scan3A_23, %dma_start3A] : memref<52x128xi32, #tpu.memory_space<vmem>> -> memref<1x128xi32, #tpu.memory_space<vmem>>
        %dma_start3A_25 = tpu.memref_squeeze %dma_start3A_24 : memref<1x128xi32, #tpu.memory_space<vmem>> -> memref<128xi32, #tpu.memory_space<vmem>>
        %dma_start3A_26 = arith.constant 0 : i32
        %dma_start3A_27 = tpu.memref_slice %arg6[%dma_start3A_26] : memref<10240xf32, #tpu.memory_space<hbm>> -> memref<10240xf32, #tpu.memory_space<hbm>>
        tpu.enqueue_indirect_dma source(%dma_start3A_27 : memref<10240xf32, #tpu.memory_space<hbm>>) target(%arg15 : memref<128xf32, #tpu.memory_space<vmem>>) offsets(%dma_start3A_25 : memref<128xi32, #tpu.memory_space<vmem>>) semaphore(%arg16 : memref<!tpu.dma_semaphore, #tpu.memory_space<semaphore_mem>>)
        %dma_wait3A = arith.constant 0 : i32
        %dma_wait3A_28 = tpu.memref_slice %arg13[%scan3A_23, %dma_wait3A] : memref<52x128xi32, #tpu.memory_space<vmem>> -> memref<1x128xi32, #tpu.memory_space<vmem>>
        %dma_wait3A_29 = tpu.memref_squeeze %dma_wait3A_28 : memref<1x128xi32, #tpu.memory_space<vmem>> -> memref<128xi32, #tpu.memory_space<vmem>>
        %dma_wait3A_30 = arith.constant 0 : i32
        %dma_wait3A_31 = tpu.memref_slice %arg6[%dma_wait3A_30] : memref<10240xf32, #tpu.memory_space<hbm>> -> memref<10240xf32, #tpu.memory_space<hbm>>
        tpu.wait_indirect_dma semaphore(%arg16 : memref<!tpu.dma_semaphore, #tpu.memory_space<semaphore_mem>>) src(%dma_wait3A_31 : memref<10240xf32, #tpu.memory_space<hbm>>) dst(%arg15 : memref<128xf32, #tpu.memory_space<vmem>>)
        "tpu.region"() ({
          %run_scoped3A_32 = tpu.sem_alloc : memref<!tpu.dma_semaphore, #tpu.memory_space<semaphore_mem>>
          %dma_start3A_33 = arith.constant 0 : i32
          %dma_start3A_34 = tpu.memref_slice %arg12[%scan3A_23, %dma_start3A_33] : memref<52x128xi32, #tpu.memory_space<vmem>> -> memref<1x128xi32, #tpu.memory_space<vmem>>
          %dma_start3A_35 = tpu.memref_squeeze %dma_start3A_34 : memref<1x128xi32, #tpu.memory_space<vmem>> -> memref<128xi32, #tpu.memory_space<vmem>>
          %dma_start3A_36 = arith.constant 0 : i32
          %dma_start3A_37 = tpu.memref_slice %arg18[%dma_start3A_36] : memref<10240xf32, #tpu.memory_space<vmem_shared>> -> memref<10240xf32, #tpu.memory_space<vmem_shared>>
          tpu.enqueue_indirect_dma source(%arg15 : memref<128xf32, #tpu.memory_space<vmem>>) target(%dma_start3A_37 : memref<10240xf32, #tpu.memory_space<vmem_shared>>) offsets(%dma_start3A_35 : memref<128xi32, #tpu.memory_space<vmem>>) semaphore(%run_scoped3A_32 : memref<!tpu.dma_semaphore, #tpu.memory_space<semaphore_mem>>) {add = true}
          %dma_wait3A_38 = arith.constant 0 : i32
          %dma_wait3A_39 = tpu.memref_slice %arg12[%scan3A_23, %dma_wait3A_38] : memref<52x128xi32, #tpu.memory_space<vmem>> -> memref<1x128xi32, #tpu.memory_space<vmem>>
          %dma_wait3A_40 = tpu.memref_squeeze %dma_wait3A_39 : memref<1x128xi32, #tpu.memory_space<vmem>> -> memref<128xi32, #tpu.memory_space<vmem>>
          %dma_wait3A_41 = arith.constant 0 : i32
          %dma_wait3A_42 = tpu.memref_slice %arg18[%dma_wait3A_41] : memref<10240xf32, #tpu.memory_space<vmem_shared>> -> memref<10240xf32, #tpu.memory_space<vmem_shared>>
          tpu.wait_indirect_dma semaphore(%run_scoped3A_32 : memref<!tpu.dma_semaphore, #tpu.memory_space<semaphore_mem>>) src(%arg15 : memref<128xf32, #tpu.memory_space<vmem>>) dst(%dma_wait3A_42 : memref<10240xf32, #tpu.memory_space<vmem_shared>>)
          tpu.yield
        }) : () -> ()
      }
      %scan3A_21 = arith.constant 25 : i32
      %barrier3A_22 = arith.constant 0 : index
      tpu.barrier barrier_id(%barrier3A_22)
      %run_scoped3A = arith.constant 0 : i32
      "tpu.region"() ({
        %run_scoped3A_23 = tpu.sem_alloc : memref<!tpu.dma_semaphore, #tpu.memory_space<semaphore_mem>>
        %dma_start3A = tpu.memref_slice %arg11[%run_scoped3A, %mul3A_0] : memref<2x10240xf32, #tpu.memory_space<hbm>> -> memref<1x640xf32, #tpu.memory_space<hbm>>
        %dma_start3A_24 = tpu.memref_squeeze %dma_start3A : memref<1x640xf32, #tpu.memory_space<hbm>> -> memref<640xf32, #tpu.memory_space<hbm>>
        %dma_start3A_25 = tpu.memref_slice %arg18[%mul3A_0] : memref<10240xf32, #tpu.memory_space<vmem_shared>> -> memref<640xf32, #tpu.memory_space<vmem_shared>>
        tpu.enqueue_dma source(%dma_start3A_25 : memref<640xf32, #tpu.memory_space<vmem_shared>>) target(%dma_start3A_24 : memref<640xf32, #tpu.memory_space<hbm>>) target_semaphore(%run_scoped3A_23 : memref<!tpu.dma_semaphore, #tpu.memory_space<semaphore_mem>>)
        %dma_wait3A = tpu.memref_slice %arg11[%run_scoped3A, %mul3A_0] : memref<2x10240xf32, #tpu.memory_space<hbm>> -> memref<1x640xf32, #tpu.memory_space<hbm>>
        %dma_wait3A_26 = tpu.memref_squeeze %dma_wait3A : memref<1x640xf32, #tpu.memory_space<hbm>> -> memref<640xf32, #tpu.memory_space<hbm>>
        %dma_wait3A_27 = tpu.memref_slice %arg18[%mul3A_0] : memref<10240xf32, #tpu.memory_space<vmem_shared>> -> memref<640xf32, #tpu.memory_space<vmem_shared>>
        tpu.wait_dma2 semaphore(%run_scoped3A_23 : memref<!tpu.dma_semaphore, #tpu.memory_space<semaphore_mem>>) src(%dma_wait3A_27 : memref<640xf32, #tpu.memory_space<vmem_shared>>) dst(%dma_wait3A_26 : memref<640xf32, #tpu.memory_space<hbm>>)
        tpu.yield
      }) : () -> ()
    } else {
    }
    %eq3A_3 = arith.constant 1 : i32
    %eq3A_4 = arith.cmpi eq, %arg0, %eq3A_3 : i32
    %convert_element_type3A_5 = arith.extui %eq3A_4 : i1 to i32
    %cond3A_6 = arith.constant 0 : i32
    %cond3A_7 = arith.cmpi ne, %convert_element_type3A_5, %cond3A_6 : i32
    scf.if %cond3A_7 {
      "tpu.region"() ({
        %run_scoped3A_23 = tpu.sem_alloc : memref<!tpu.dma_semaphore, #tpu.memory_space<semaphore_mem>>
        %dma_start3A = arith.constant 0 : i32
        %dma_start3A_24 = tpu.memref_slice %arg17[%mul3A_0, %dma_start3A] : memref<10240x112xf32, #tpu.memory_space<vmem_shared>> -> memref<640x112xf32, #tpu.memory_space<vmem_shared>>
        tpu.enqueue_dma source(%arg7 : memref<640x112xf32, #tpu.memory_space<hbm>>) target(%dma_start3A_24 : memref<640x112xf32, #tpu.memory_space<vmem_shared>>) target_semaphore(%run_scoped3A_23 : memref<!tpu.dma_semaphore, #tpu.memory_space<semaphore_mem>>)
        %dma_wait3A = arith.constant 0 : i32
        %dma_wait3A_25 = tpu.memref_slice %arg17[%mul3A_0, %dma_wait3A] : memref<10240x112xf32, #tpu.memory_space<vmem_shared>> -> memref<640x112xf32, #tpu.memory_space<vmem_shared>>
        tpu.wait_dma2 semaphore(%run_scoped3A_23 : memref<!tpu.dma_semaphore, #tpu.memory_space<semaphore_mem>>) src(%arg7 : memref<640x112xf32, #tpu.memory_space<hbm>>) dst(%dma_wait3A_25 : memref<640x112xf32, #tpu.memory_space<vmem_shared>>)
        tpu.yield
      }) : () -> ()
      %barrier3A = arith.constant 0 : index
      tpu.barrier barrier_id(%barrier3A)
      %scan3A = arith.constant 0 : i32
      %scan3A_8 = arith.constant 0 : i32
      %scan3A_9 = arith.constant 50 : i32
      %scan3A_10 = arith.addi %scan3A_8, %scan3A_9 : i32
      %scan3A_11 = arith.constant 1 : i32
      scf.for %scan3A_23 = %scan3A_8 to %scan3A_10 step %scan3A_11  : i32 {
        %dma_start3A = arith.constant 0 : i32
        %dma_start3A_24 = tpu.memref_slice %arg12[%scan3A_23, %dma_start3A] : memref<52x128xi32, #tpu.memory_space<vmem>> -> memref<1x128xi32, #tpu.memory_space<vmem>>
        %dma_start3A_25 = tpu.memref_squeeze %dma_start3A_24 : memref<1x128xi32, #tpu.memory_space<vmem>> -> memref<128xi32, #tpu.memory_space<vmem>>
        %dma_start3A_26 = arith.constant 0 : i32
        %dma_start3A_27 = arith.constant 0 : i32
        %dma_start3A_28 = tpu.memref_slice %arg5[%dma_start3A_26, %dma_start3A_27] : memref<10240x112xf32, #tpu.memory_space<hbm>> -> memref<10240x112xf32, #tpu.memory_space<hbm>>
        tpu.enqueue_indirect_dma source(%dma_start3A_28 : memref<10240x112xf32, #tpu.memory_space<hbm>>) target(%arg14 : memref<128x112xf32, #tpu.memory_space<vmem>>) offsets(%dma_start3A_25 : memref<128xi32, #tpu.memory_space<vmem>>) semaphore(%arg16 : memref<!tpu.dma_semaphore, #tpu.memory_space<semaphore_mem>>)
        %dma_wait3A = arith.constant 0 : i32
        %dma_wait3A_29 = tpu.memref_slice %arg12[%scan3A_23, %dma_wait3A] : memref<52x128xi32, #tpu.memory_space<vmem>> -> memref<1x128xi32, #tpu.memory_space<vmem>>
        %dma_wait3A_30 = tpu.memref_squeeze %dma_wait3A_29 : memref<1x128xi32, #tpu.memory_space<vmem>> -> memref<128xi32, #tpu.memory_space<vmem>>
        %dma_wait3A_31 = arith.constant 0 : i32
        %dma_wait3A_32 = arith.constant 0 : i32
        %dma_wait3A_33 = tpu.memref_slice %arg5[%dma_wait3A_31, %dma_wait3A_32] : memref<10240x112xf32, #tpu.memory_space<hbm>> -> memref<10240x112xf32, #tpu.memory_space<hbm>>
        tpu.wait_indirect_dma semaphore(%arg16 : memref<!tpu.dma_semaphore, #tpu.memory_space<semaphore_mem>>) src(%dma_wait3A_33 : memref<10240x112xf32, #tpu.memory_space<hbm>>) dst(%arg14 : memref<128x112xf32, #tpu.memory_space<vmem>>)
        "tpu.region"() ({
          %run_scoped3A_34 = tpu.sem_alloc : memref<!tpu.dma_semaphore, #tpu.memory_space<semaphore_mem>>
          %dma_start3A_35 = arith.constant 0 : i32
          %dma_start3A_36 = tpu.memref_slice %arg13[%scan3A_23, %dma_start3A_35] : memref<52x128xi32, #tpu.memory_space<vmem>> -> memref<1x128xi32, #tpu.memory_space<vmem>>
          %dma_start3A_37 = tpu.memref_squeeze %dma_start3A_36 : memref<1x128xi32, #tpu.memory_space<vmem>> -> memref<128xi32, #tpu.memory_space<vmem>>
          %dma_start3A_38 = arith.constant 0 : i32
          %dma_start3A_39 = arith.constant 0 : i32
          %dma_start3A_40 = tpu.memref_slice %arg17[%dma_start3A_38, %dma_start3A_39] : memref<10240x112xf32, #tpu.memory_space<vmem_shared>> -> memref<10240x112xf32, #tpu.memory_space<vmem_shared>>
          tpu.enqueue_indirect_dma source(%arg14 : memref<128x112xf32, #tpu.memory_space<vmem>>) target(%dma_start3A_40 : memref<10240x112xf32, #tpu.memory_space<vmem_shared>>) offsets(%dma_start3A_37 : memref<128xi32, #tpu.memory_space<vmem>>) semaphore(%run_scoped3A_34 : memref<!tpu.dma_semaphore, #tpu.memory_space<semaphore_mem>>) {add = true}
          %dma_wait3A_41 = arith.constant 0 : i32
          %dma_wait3A_42 = tpu.memref_slice %arg13[%scan3A_23, %dma_wait3A_41] : memref<52x128xi32, #tpu.memory_space<vmem>> -> memref<1x128xi32, #tpu.memory_space<vmem>>
          %dma_wait3A_43 = tpu.memref_squeeze %dma_wait3A_42 : memref<1x128xi32, #tpu.memory_space<vmem>> -> memref<128xi32, #tpu.memory_space<vmem>>
          %dma_wait3A_44 = arith.constant 0 : i32
          %dma_wait3A_45 = arith.constant 0 : i32
          %dma_wait3A_46 = tpu.memref_slice %arg17[%dma_wait3A_44, %dma_wait3A_45] : memref<10240x112xf32, #tpu.memory_space<vmem_shared>> -> memref<10240x112xf32, #tpu.memory_space<vmem_shared>>
          tpu.wait_indirect_dma semaphore(%run_scoped3A_34 : memref<!tpu.dma_semaphore, #tpu.memory_space<semaphore_mem>>) src(%arg14 : memref<128x112xf32, #tpu.memory_space<vmem>>) dst(%dma_wait3A_46 : memref<10240x112xf32, #tpu.memory_space<vmem_shared>>)
          tpu.yield
        }) : () -> ()
      }
      %scan3A_12 = arith.constant 50 : i32
      %barrier3A_13 = arith.constant 0 : index
      tpu.barrier barrier_id(%barrier3A_13)
      "tpu.region"() ({
        %run_scoped3A_23 = tpu.sem_alloc : memref<!tpu.dma_semaphore, #tpu.memory_space<semaphore_mem>>
        %dma_start3A = arith.constant 0 : i32
        %dma_start3A_24 = tpu.memref_slice %arg10[%mul3A_0, %dma_start3A] : memref<10240x112xf32, #tpu.memory_space<hbm>> -> memref<640x112xf32, #tpu.memory_space<hbm>>
        %dma_start3A_25 = arith.constant 0 : i32
        %dma_start3A_26 = tpu.memref_slice %arg17[%mul3A_0, %dma_start3A_25] : memref<10240x112xf32, #tpu.memory_space<vmem_shared>> -> memref<640x112xf32, #tpu.memory_space<vmem_shared>>
        tpu.enqueue_dma source(%dma_start3A_26 : memref<640x112xf32, #tpu.memory_space<vmem_shared>>) target(%dma_start3A_24 : memref<640x112xf32, #tpu.memory_space<hbm>>) target_semaphore(%run_scoped3A_23 : memref<!tpu.dma_semaphore, #tpu.memory_space<semaphore_mem>>)
        %dma_wait3A = arith.constant 0 : i32
        %dma_wait3A_27 = tpu.memref_slice %arg10[%mul3A_0, %dma_wait3A] : memref<10240x112xf32, #tpu.memory_space<hbm>> -> memref<640x112xf32, #tpu.memory_space<hbm>>
        %dma_wait3A_28 = arith.constant 0 : i32
        %dma_wait3A_29 = tpu.memref_slice %arg17[%mul3A_0, %dma_wait3A_28] : memref<10240x112xf32, #tpu.memory_space<vmem_shared>> -> memref<640x112xf32, #tpu.memory_space<vmem_shared>>
        tpu.wait_dma2 semaphore(%run_scoped3A_23 : memref<!tpu.dma_semaphore, #tpu.memory_space<semaphore_mem>>) src(%dma_wait3A_29 : memref<640x112xf32, #tpu.memory_space<vmem_shared>>) dst(%dma_wait3A_27 : memref<640x112xf32, #tpu.memory_space<hbm>>)
        tpu.yield
      }) : () -> ()
      %barrier3A_14 = arith.constant 0 : index
      tpu.barrier barrier_id(%barrier3A_14)
      "tpu.region"() ({
        %run_scoped3A_23 = tpu.sem_alloc : memref<!tpu.dma_semaphore, #tpu.memory_space<semaphore_mem>>
        %dma_start3A = tpu.memref_slice %arg18[%mul3A_0] : memref<10240xf32, #tpu.memory_space<vmem_shared>> -> memref<640xf32, #tpu.memory_space<vmem_shared>>
        %dma_start3A_24 = tpu.memref_slice %arg8[%mul3A_0] : memref<10240xf32, #tpu.memory_space<hbm>> -> memref<640xf32, #tpu.memory_space<hbm>>
        tpu.enqueue_dma source(%dma_start3A_24 : memref<640xf32, #tpu.memory_space<hbm>>) target(%dma_start3A : memref<640xf32, #tpu.memory_space<vmem_shared>>) target_semaphore(%run_scoped3A_23 : memref<!tpu.dma_semaphore, #tpu.memory_space<semaphore_mem>>)
        %dma_wait3A = tpu.memref_slice %arg18[%mul3A_0] : memref<10240xf32, #tpu.memory_space<vmem_shared>> -> memref<640xf32, #tpu.memory_space<vmem_shared>>
        %dma_wait3A_25 = tpu.memref_slice %arg8[%mul3A_0] : memref<10240xf32, #tpu.memory_space<hbm>> -> memref<640xf32, #tpu.memory_space<hbm>>
        tpu.wait_dma2 semaphore(%run_scoped3A_23 : memref<!tpu.dma_semaphore, #tpu.memory_space<semaphore_mem>>) src(%dma_wait3A_25 : memref<640xf32, #tpu.memory_space<hbm>>) dst(%dma_wait3A : memref<640xf32, #tpu.memory_space<vmem_shared>>)
        tpu.yield
      }) : () -> ()
      %barrier3A_15 = arith.constant 0 : index
      tpu.barrier barrier_id(%barrier3A_15)
      %scan3A_16 = arith.constant 0 : i32
      %scan3A_17 = arith.constant 25 : i32
      %scan3A_18 = arith.constant 25 : i32
      %scan3A_19 = arith.addi %scan3A_17, %scan3A_18 : i32
      %scan3A_20 = arith.constant 1 : i32
      scf.for %scan3A_23 = %scan3A_17 to %scan3A_19 step %scan3A_20  : i32 {
        %dma_start3A = arith.constant 0 : i32
        %dma_start3A_24 = tpu.memref_slice %arg13[%scan3A_23, %dma_start3A] : memref<52x128xi32, #tpu.memory_space<vmem>> -> memref<1x128xi32, #tpu.memory_space<vmem>>
        %dma_start3A_25 = tpu.memref_squeeze %dma_start3A_24 : memref<1x128xi32, #tpu.memory_space<vmem>> -> memref<128xi32, #tpu.memory_space<vmem>>
        %dma_start3A_26 = arith.constant 0 : i32
        %dma_start3A_27 = tpu.memref_slice %arg6[%dma_start3A_26] : memref<10240xf32, #tpu.memory_space<hbm>> -> memref<10240xf32, #tpu.memory_space<hbm>>
        tpu.enqueue_indirect_dma source(%dma_start3A_27 : memref<10240xf32, #tpu.memory_space<hbm>>) target(%arg15 : memref<128xf32, #tpu.memory_space<vmem>>) offsets(%dma_start3A_25 : memref<128xi32, #tpu.memory_space<vmem>>) semaphore(%arg16 : memref<!tpu.dma_semaphore, #tpu.memory_space<semaphore_mem>>)
        %dma_wait3A = arith.constant 0 : i32
        %dma_wait3A_28 = tpu.memref_slice %arg13[%scan3A_23, %dma_wait3A] : memref<52x128xi32, #tpu.memory_space<vmem>> -> memref<1x128xi32, #tpu.memory_space<vmem>>
        %dma_wait3A_29 = tpu.memref_squeeze %dma_wait3A_28 : memref<1x128xi32, #tpu.memory_space<vmem>> -> memref<128xi32, #tpu.memory_space<vmem>>
        %dma_wait3A_30 = arith.constant 0 : i32
        %dma_wait3A_31 = tpu.memref_slice %arg6[%dma_wait3A_30] : memref<10240xf32, #tpu.memory_space<hbm>> -> memref<10240xf32, #tpu.memory_space<hbm>>
        tpu.wait_indirect_dma semaphore(%arg16 : memref<!tpu.dma_semaphore, #tpu.memory_space<semaphore_mem>>) src(%dma_wait3A_31 : memref<10240xf32, #tpu.memory_space<hbm>>) dst(%arg15 : memref<128xf32, #tpu.memory_space<vmem>>)
        "tpu.region"() ({
          %run_scoped3A_32 = tpu.sem_alloc : memref<!tpu.dma_semaphore, #tpu.memory_space<semaphore_mem>>
          %dma_start3A_33 = arith.constant 0 : i32
          %dma_start3A_34 = tpu.memref_slice %arg12[%scan3A_23, %dma_start3A_33] : memref<52x128xi32, #tpu.memory_space<vmem>> -> memref<1x128xi32, #tpu.memory_space<vmem>>
          %dma_start3A_35 = tpu.memref_squeeze %dma_start3A_34 : memref<1x128xi32, #tpu.memory_space<vmem>> -> memref<128xi32, #tpu.memory_space<vmem>>
          %dma_start3A_36 = arith.constant 0 : i32
          %dma_start3A_37 = tpu.memref_slice %arg18[%dma_start3A_36] : memref<10240xf32, #tpu.memory_space<vmem_shared>> -> memref<10240xf32, #tpu.memory_space<vmem_shared>>
          tpu.enqueue_indirect_dma source(%arg15 : memref<128xf32, #tpu.memory_space<vmem>>) target(%dma_start3A_37 : memref<10240xf32, #tpu.memory_space<vmem_shared>>) offsets(%dma_start3A_35 : memref<128xi32, #tpu.memory_space<vmem>>) semaphore(%run_scoped3A_32 : memref<!tpu.dma_semaphore, #tpu.memory_space<semaphore_mem>>) {add = true}
          %dma_wait3A_38 = arith.constant 0 : i32
          %dma_wait3A_39 = tpu.memref_slice %arg12[%scan3A_23, %dma_wait3A_38] : memref<52x128xi32, #tpu.memory_space<vmem>> -> memref<1x128xi32, #tpu.memory_space<vmem>>
          %dma_wait3A_40 = tpu.memref_squeeze %dma_wait3A_39 : memref<1x128xi32, #tpu.memory_space<vmem>> -> memref<128xi32, #tpu.memory_space<vmem>>
          %dma_wait3A_41 = arith.constant 0 : i32
          %dma_wait3A_42 = tpu.memref_slice %arg18[%dma_wait3A_41] : memref<10240xf32, #tpu.memory_space<vmem_shared>> -> memref<10240xf32, #tpu.memory_space<vmem_shared>>
          tpu.wait_indirect_dma semaphore(%run_scoped3A_32 : memref<!tpu.dma_semaphore, #tpu.memory_space<semaphore_mem>>) src(%arg15 : memref<128xf32, #tpu.memory_space<vmem>>) dst(%dma_wait3A_42 : memref<10240xf32, #tpu.memory_space<vmem_shared>>)
          tpu.yield
        }) : () -> ()
      }
      %scan3A_21 = arith.constant 25 : i32
      %barrier3A_22 = arith.constant 0 : index
      tpu.barrier barrier_id(%barrier3A_22)
      %run_scoped3A = arith.constant 1 : i32
      "tpu.region"() ({
        %run_scoped3A_23 = tpu.sem_alloc : memref<!tpu.dma_semaphore, #tpu.memory_space<semaphore_mem>>
        %dma_start3A = tpu.memref_slice %arg11[%run_scoped3A, %mul3A_0] : memref<2x10240xf32, #tpu.memory_space<hbm>> -> memref<1x640xf32, #tpu.memory_space<hbm>>
        %dma_start3A_24 = tpu.memref_squeeze %dma_start3A : memref<1x640xf32, #tpu.memory_space<hbm>> -> memref<640xf32, #tpu.memory_space<hbm>>
        %dma_start3A_25 = tpu.memref_slice %arg18[%mul3A_0] : memref<10240xf32, #tpu.memory_space<vmem_shared>> -> memref<640xf32, #tpu.memory_space<vmem_shared>>
        tpu.enqueue_dma source(%dma_start3A_25 : memref<640xf32, #tpu.memory_space<vmem_shared>>) target(%dma_start3A_24 : memref<640xf32, #tpu.memory_space<hbm>>) target_semaphore(%run_scoped3A_23 : memref<!tpu.dma_semaphore, #tpu.memory_space<semaphore_mem>>)
        %dma_wait3A = tpu.memref_slice %arg11[%run_scoped3A, %mul3A_0] : memref<2x10240xf32, #tpu.memory_space<hbm>> -> memref<1x640xf32, #tpu.memory_space<hbm>>
        %dma_wait3A_26 = tpu.memref_squeeze %dma_wait3A : memref<1x640xf32, #tpu.memory_space<hbm>> -> memref<640xf32, #tpu.memory_space<hbm>>
        %dma_wait3A_27 = tpu.memref_slice %arg18[%mul3A_0] : memref<10240xf32, #tpu.memory_space<vmem_shared>> -> memref<640xf32, #tpu.memory_space<vmem_shared>>
        tpu.wait_dma2 semaphore(%run_scoped3A_23 : memref<!tpu.dma_semaphore, #tpu.memory_space<semaphore_mem>>) src(%dma_wait3A_27 : memref<640xf32, #tpu.memory_space<vmem_shared>>) dst(%dma_wait3A_26 : memref<640xf32, #tpu.memory_space<hbm>>)
        tpu.yield
      }) : () -> ()
    } else {
    }
    return
  }
}

#map = affine_map<(d0, d1) -> (0)>
#map1 = affine_map<(d0, d1) -> (0, 0)>
module attributes {stable_mosaic.version = 14 : i64} {
  func.func @_deg_body(%arg0: i32, %arg1: i32, %arg2: memref<102400xi32, #tpu.memory_space<hbm>>, %arg3: memref<10240xf32, #tpu.memory_space<hbm>>, %arg4: memref<32x10240xf32, #tpu.memory_space<hbm>>, %arg5: memref<3200xi32, #tpu.memory_space<vmem>>, %arg6: memref<10240xf32, #tpu.memory_space<vmem>>) attributes {dimension_semantics = [#tpu.dimension_semantics<core_parallel>, #tpu.dimension_semantics<subcore_parallel>], iteration_bounds = array<i64: 2, 16>, scalar_prefetch = 0 : i64, scratch_operands = 2 : i64, tpu.core_type = #tpu.core_type<sc_vector_subcore>, window_params = [{transform_indices = #map}, {transform_indices = #map}, {transform_indices = #map1}]} {
    %mul3A = arith.constant 16 : i32
    %mul3A_0 = arith.muli %arg0, %mul3A : i32
    %add3A = arith.addi %mul3A_0, %arg1 : i32
    "tpu.region"() ({
      %run_scoped3A = tpu.sem_alloc : memref<!tpu.dma_semaphore, #tpu.memory_space<semaphore_mem>>
      tpu.enqueue_dma source(%arg3 : memref<10240xf32, #tpu.memory_space<hbm>>) target(%arg6 : memref<10240xf32, #tpu.memory_space<vmem>>) target_semaphore(%run_scoped3A : memref<!tpu.dma_semaphore, #tpu.memory_space<semaphore_mem>>)
      tpu.wait_dma2 semaphore(%run_scoped3A : memref<!tpu.dma_semaphore, #tpu.memory_space<semaphore_mem>>) src(%arg3 : memref<10240xf32, #tpu.memory_space<hbm>>) dst(%arg6 : memref<10240xf32, #tpu.memory_space<vmem>>)
      tpu.yield
    }) : () -> ()
    %mul3A_1 = arith.constant 3200 : i32
    %mul3A_2 = arith.muli %add3A, %mul3A_1 : i32
    "tpu.region"() ({
      %run_scoped3A = tpu.sem_alloc : memref<!tpu.dma_semaphore, #tpu.memory_space<semaphore_mem>>
      %dma_start3A = tpu.memref_slice %arg2[%mul3A_2] : memref<102400xi32, #tpu.memory_space<hbm>> -> memref<3200xi32, #tpu.memory_space<hbm>>
      %dma_start3A_8 = tpu.memref_slice %arg2[%mul3A_2] : memref<102400xi32, #tpu.memory_space<hbm>> -> memref<3200xi32, #tpu.memory_space<hbm>>
      tpu.enqueue_dma source(%dma_start3A_8 : memref<3200xi32, #tpu.memory_space<hbm>>) target(%arg5 : memref<3200xi32, #tpu.memory_space<vmem>>) target_semaphore(%run_scoped3A : memref<!tpu.dma_semaphore, #tpu.memory_space<semaphore_mem>>)
      %dma_wait3A = tpu.memref_slice %arg2[%mul3A_2] : memref<102400xi32, #tpu.memory_space<hbm>> -> memref<3200xi32, #tpu.memory_space<hbm>>
      %dma_wait3A_9 = tpu.memref_slice %arg2[%mul3A_2] : memref<102400xi32, #tpu.memory_space<hbm>> -> memref<3200xi32, #tpu.memory_space<hbm>>
      tpu.wait_dma2 semaphore(%run_scoped3A : memref<!tpu.dma_semaphore, #tpu.memory_space<semaphore_mem>>) src(%dma_wait3A_9 : memref<3200xi32, #tpu.memory_space<hbm>>) dst(%arg5 : memref<3200xi32, #tpu.memory_space<vmem>>)
      tpu.yield
    }) : () -> ()
    %scan3A = arith.constant 0 : i32
    %scan3A_3 = arith.constant 0 : i32
    %scan3A_4 = arith.constant 200 : i32
    %scan3A_5 = arith.addi %scan3A_3, %scan3A_4 : i32
    %scan3A_6 = arith.constant 1 : i32
    scf.for %scan3A_8 = %scan3A_3 to %scan3A_5 step %scan3A_6  : i32 {
      %mul3A_9 = arith.constant 16 : i32
      %mul3A_10 = arith.muli %scan3A_8, %mul3A_9 : i32
      %get3A = arith.index_cast %mul3A_10 : i32 to index
      %get3A_11 = tpu.vector_load %arg5[%get3A] {strides = array<i32>} : memref<3200xi32, #tpu.memory_space<vmem>>, vector<16xi32>,
      %broadcast_in_dim3A = arith.constant 1.000000e+00 : f32
      %broadcast_in_dim3A_12 = vector.broadcast %broadcast_in_dim3A : f32 to vector<16xf32>
      tpu.vector_store_idx %arg6[%get3A_11], %broadcast_in_dim3A_12 {add = true} : memref<10240xf32, #tpu.memory_space<vmem>>[vector<16xi32>], vector<16xf32>,
    }
    %scan3A_7 = arith.constant 200 : i32
    "tpu.region"() ({
      %run_scoped3A = tpu.sem_alloc : memref<!tpu.dma_semaphore, #tpu.memory_space<semaphore_mem>>
      %dma_start3A = arith.constant 0 : i32
      %dma_start3A_8 = tpu.memref_slice %arg4[%add3A, %dma_start3A] : memref<32x10240xf32, #tpu.memory_space<hbm>> -> memref<1x10240xf32, #tpu.memory_space<hbm>>
      %dma_start3A_9 = tpu.memref_squeeze %dma_start3A_8 : memref<1x10240xf32, #tpu.memory_space<hbm>> -> memref<10240xf32, #tpu.memory_space<hbm>>
      %dma_start3A_10 = arith.constant 0 : i32
      %dma_start3A_11 = tpu.memref_slice %arg4[%add3A, %dma_start3A_10] : memref<32x10240xf32, #tpu.memory_space<hbm>> -> memref<1x10240xf32, #tpu.memory_space<hbm>>
      %dma_start3A_12 = tpu.memref_squeeze %dma_start3A_11 : memref<1x10240xf32, #tpu.memory_space<hbm>> -> memref<10240xf32, #tpu.memory_space<hbm>>
      tpu.enqueue_dma source(%arg6 : memref<10240xf32, #tpu.memory_space<vmem>>) target(%dma_start3A_12 : memref<10240xf32, #tpu.memory_space<hbm>>) target_semaphore(%run_scoped3A : memref<!tpu.dma_semaphore, #tpu.memory_space<semaphore_mem>>)
      %dma_wait3A = arith.constant 0 : i32
      %dma_wait3A_13 = tpu.memref_slice %arg4[%add3A, %dma_wait3A] : memref<32x10240xf32, #tpu.memory_space<hbm>> -> memref<1x10240xf32, #tpu.memory_space<hbm>>
      %dma_wait3A_14 = tpu.memref_squeeze %dma_wait3A_13 : memref<1x10240xf32, #tpu.memory_space<hbm>> -> memref<10240xf32, #tpu.memory_space<hbm>>
      %dma_wait3A_15 = arith.constant 0 : i32
      %dma_wait3A_16 = tpu.memref_slice %arg4[%add3A, %dma_wait3A_15] : memref<32x10240xf32, #tpu.memory_space<hbm>> -> memref<1x10240xf32, #tpu.memory_space<hbm>>
      %dma_wait3A_17 = tpu.memref_squeeze %dma_wait3A_16 : memref<1x10240xf32, #tpu.memory_space<hbm>> -> memref<10240xf32, #tpu.memory_space<hbm>>
      tpu.wait_dma2 semaphore(%run_scoped3A : memref<!tpu.dma_semaphore, #tpu.memory_space<semaphore_mem>>) src(%arg6 : memref<10240xf32, #tpu.memory_space<vmem>>) dst(%dma_wait3A_17 : memref<10240xf32, #tpu.memory_space<hbm>>)
      tpu.yield
    }) : () -> ()
    return
  }
}

module attributes {stable_mosaic.version = 14 : i64} {
  func.func @_dinv_body(%arg0: memref<32x10240xf32, #tpu.memory_space<vmem>>, %arg1: memref<1x10240xf32, #tpu.memory_space<vmem>>) attributes {dimension_semantics = [], scalar_prefetch = 0 : i64, scratch_operands = 0 : i64, tpu.core_type = #tpu.core_type<tc>} {
    %get3A = arith.constant 0 : index
    %get3A_0 = arith.constant 0 : index
    %get3A_1 = vector.load %arg0[%get3A, %get3A_0] : memref<32x10240xf32, #tpu.memory_space<vmem>>, vector<32x10240xf32>
    %reduce_sum3A = arith.constant dense<0.000000e+00> : vector<10240xf32>
    %reduce_sum3A_2 = vector.multi_reduction <add>, %get3A_1, %reduce_sum3A [0] : vector<32x10240xf32> to vector<10240xf32>
    %broadcast_in_dim3A = vector.shape_cast %reduce_sum3A_2 : vector<10240xf32> to vector<1x10240xf32>
    %add3A = arith.constant 1.000000e+00 : f32
    %add3A_3 = vector.broadcast %add3A : f32 to vector<1x10240xf32>
    %add3A_4 = arith.addf %broadcast_in_dim3A, %add3A_3 : vector<1x10240xf32>
    %rsqrt3A = math.rsqrt %add3A_4 : vector<1x10240xf32>
    %swap3A = arith.constant 0 : index
    %swap3A_5 = arith.constant 0 : index
    %swap3A_6 = vector.load %arg1[%swap3A, %swap3A_5] : memref<1x10240xf32, #tpu.memory_space<vmem>>, vector<1x10240xf32>
    tpu.vector_store %arg1[%swap3A, %swap3A_5], %rsqrt3A {strides = array<i32>} : memref<1x10240xf32, #tpu.memory_space<vmem>>, vector<1x10240xf32>,
    return
  }
}

module attributes {stable_mosaic.version = 14 : i64} {
  func.func @_mmpair_body(%arg0: i32, %arg1: memref<400x784xf32, #tpu.memory_space<vmem>>, %arg2: memref<784x224xf32, #tpu.memory_space<vmem>>, %arg3: memref<400x1xf32, #tpu.memory_space<vmem>>, %arg4: memref<400x112xf32, #tpu.memory_space<vmem>>, %arg5: memref<400x112xf32, #tpu.memory_space<vmem>>) attributes {dimension_semantics = [#tpu.dimension_semantics<arbitrary>], iteration_bounds = array<i64: 25>, scalar_prefetch = 0 : i64, scratch_operands = 0 : i64, tpu.core_type = #tpu.core_type<tc>, window_params = [{transform_indices = @transform_0, window_bounds = array<i64: 400, 784>}, {pipeline_mode = #tpu.pipeline_mode<synchronous>, transform_indices = @transform_1, window_bounds = array<i64: 784, 224>}, {transform_indices = @transform_2, window_bounds = array<i64: 400, 1>}, {transform_indices = @transform_3, window_bounds = array<i64: 400, 112>}, {transform_indices = @transform_4, window_bounds = array<i64: 400, 112>}]} {
    %get3A = arith.constant 0 : index
    %get3A_0 = arith.constant 0 : index
    %get3A_1 = vector.load %arg3[%get3A, %get3A_0] : memref<400x1xf32, #tpu.memory_space<vmem>>, vector<400x1xf32>
    %get3A_2 = arith.constant 0 : index
    %get3A_3 = arith.constant 0 : index
    %get3A_4 = vector.load %arg1[%get3A_2, %get3A_3] : memref<400x784xf32, #tpu.memory_space<vmem>>, vector<400x784xf32>
    %get3A_5 = arith.constant 0 : index
    %get3A_6 = arith.constant 0 : index
    %get3A_7 = vector.load %arg2[%get3A_5, %get3A_6] : memref<784x224xf32, #tpu.memory_space<vmem>>, vector<784x224xf32>
    %dot_general3A = arith.constant dense<0.000000e+00> : vector<400x224xf32>
    %dot_general3A_8 = tpu.matmul %get3A_4, %get3A_7, %dot_general3A {dimension_numbers = #tpu.dot_dimension_numbers<[1], [0], [0], [1], [0, 0, 1, 1], [], []>, transpose_lhs_hint = false} : vector<400x784xf32>, vector<784x224xf32>, vector<400x224xf32> -> vector<400x224xf32>
    %mul3A = vector.broadcast %get3A_1 : vector<400x1xf32> to vector<400x224xf32>
    %mul3A_9 = arith.mulf %mul3A, %dot_general3A_8 : vector<400x224xf32>
    %slice3A = vector.extract_strided_slice %mul3A_9 {offsets = [0, 0], sizes = [400, 112], strides = [1, 1]} : vector<400x224xf32> to vector<400x112xf32>
    %swap3A = arith.constant 0 : index
    %swap3A_10 = arith.constant 0 : index
    %swap3A_11 = vector.load %arg4[%swap3A, %swap3A_10] : memref<400x112xf32, #tpu.memory_space<vmem>>, vector<400x112xf32>
    tpu.vector_store %arg4[%swap3A, %swap3A_10], %slice3A {strides = array<i32>} : memref<400x112xf32, #tpu.memory_space<vmem>>, vector<400x112xf32>,
    %slice3A_12 = vector.extract_strided_slice %mul3A_9 {offsets = [0, 112], sizes = [400, 112], strides = [1, 1]} : vector<400x224xf32> to vector<400x112xf32>
    %swap3A_13 = arith.constant 0 : index
    %swap3A_14 = arith.constant 0 : index
    %swap3A_15 = vector.load %arg5[%swap3A_13, %swap3A_14] : memref<400x112xf32, #tpu.memory_space<vmem>>, vector<400x112xf32>
    tpu.vector_store %arg5[%swap3A_13, %swap3A_14], %slice3A_12 {strides = array<i32>} : memref<400x112xf32, #tpu.memory_space<vmem>>, vector<400x112xf32>,
    return
  }
  func.func @transform_0(%arg0: i32) -> (i32, i32) {
    %c0_i32 = arith.constant 0 : i32
    %c0_i32_0 = arith.constant 0 : i32
    return %arg0, %c0_i32 : i32, i32
  }
  func.func @transform_1(%arg0: i32) -> (i32, i32) {
    %c0_i32 = arith.constant 0 : i32
    %c0_i32_0 = arith.constant 0 : i32
    %c0_i32_1 = arith.constant 0 : i32
    return %c0_i32, %c0_i32_0 : i32, i32
  }
  func.func @transform_2(%arg0: i32) -> (i32, i32) {
    %c0_i32 = arith.constant 0 : i32
    %c0_i32_0 = arith.constant 0 : i32
    return %arg0, %c0_i32 : i32, i32
  }
  func.func @transform_3(%arg0: i32) -> (i32, i32) {
    %c0_i32 = arith.constant 0 : i32
    %c0_i32_0 = arith.constant 0 : i32
    return %arg0, %c0_i32 : i32, i32
  }
  func.func @transform_4(%arg0: i32) -> (i32, i32) {
    %c0_i32 = arith.constant 0 : i32
    %c0_i32_0 = arith.constant 0 : i32
    return %arg0, %c0_i32 : i32, i32
  }
}

module attributes {stable_mosaic.version = 14 : i64} {
  func.func @_redpair_body(%arg0: i32, %arg1: memref<512x112xf32, #tpu.memory_space<vmem>>, %arg2: memref<512x112xf32, #tpu.memory_space<vmem>>, %arg3: memref<512x112xf32, #tpu.memory_space<vmem>>, %arg4: memref<512x112xf32, #tpu.memory_space<vmem>>, %arg5: memref<2x512xf32, #tpu.memory_space<vmem>>, %arg6: memref<1x512xf32, #tpu.memory_space<vmem>>, %arg7: memref<2x112xf32, #tpu.memory_space<vmem>>, %arg8: memref<1x224xf32, #tpu.memory_space<vmem>>) attributes {dimension_semantics = [#tpu.dimension_semantics<arbitrary>], iteration_bounds = array<i64: 20>, scalar_prefetch = 0 : i64, scratch_operands = 0 : i64, tpu.core_type = #tpu.core_type<tc>, window_params = [{transform_indices = @transform_0, window_bounds = array<i64: 512, 112>}, {transform_indices = @transform_1, window_bounds = array<i64: 512, 112>}, {transform_indices = @transform_2, window_bounds = array<i64: 512, 112>}, {transform_indices = @transform_3, window_bounds = array<i64: 512, 112>}, {transform_indices = @transform_4, window_bounds = array<i64: 2, 512>}, {transform_indices = @transform_5, window_bounds = array<i64: 1, 512>}, {pipeline_mode = #tpu.pipeline_mode<synchronous>, transform_indices = @transform_6, window_bounds = array<i64: 2, 112>}, {pipeline_mode = #tpu.pipeline_mode<synchronous>, transform_indices = @transform_7, window_bounds = array<i64: 1, 224>}]} {
    %get3A = arith.constant 0 : index
    %get3A_0 = arith.constant 0 : index
    %get3A_1 = vector.load %arg6[%get3A, %get3A_0] : memref<1x512xf32, #tpu.memory_space<vmem>>, vector<1x512xf32>
    %get3A_2 = vector.shape_cast %get3A_1 : vector<1x512xf32> to vector<512xf32>
    %get3A_3 = arith.constant 0 : index
    %get3A_4 = arith.constant 0 : index
    %get3A_5 = vector.load %arg5[%get3A_3, %get3A_4] : memref<2x512xf32, #tpu.memory_space<vmem>>, vector<2x512xf32>
    %reduce_sum3A = arith.constant dense<0.000000e+00> : vector<512xf32>
    %reduce_sum3A_6 = vector.multi_reduction <add>, %get3A_5, %reduce_sum3A [0] : vector<2x512xf32> to vector<512xf32>
    %mul3A = arith.mulf %get3A_2, %reduce_sum3A_6 : vector<512xf32>
    %mul3A_7 = arith.mulf %get3A_2, %get3A_2 : vector<512xf32>
    %add3A = arith.addf %mul3A, %mul3A_7 : vector<512xf32>
    %mul3A_8 = arith.constant 512 : i32
    %mul3A_9 = arith.muli %arg0, %mul3A_8 : i32
    %iota3A = tpu.iota {dimensions = array<i32: 0>} : vector<512x112xi32>
    %add3A_10 = vector.broadcast %mul3A_9 : i32 to vector<512x112xi32>
    %add3A_11 = arith.addi %add3A_10, %iota3A : vector<512x112xi32>
    %eq3A = arith.constant 0 : i32
    %eq3A_12 = arith.cmpi eq, %arg0, %eq3A : i32
    %convert_element_type3A = arith.extui %eq3A_12 : i1 to i32
    %cond3A = arith.constant 0 : i32
    %cond3A_13 = arith.cmpi ne, %convert_element_type3A, %cond3A : i32
    scf.if %cond3A_13 {
      %broadcast_in_dim3A_68 = arith.constant 0.000000e+00 : f32
      %broadcast_in_dim3A_69 = vector.broadcast %broadcast_in_dim3A_68 : f32 to vector<1x224xf32>
      %swap3A_70 = arith.constant 0 : index
      %swap3A_71 = arith.constant 0 : index
      %swap3A_72 = vector.load %arg8[%swap3A_70, %swap3A_71] : memref<1x224xf32, #tpu.memory_space<vmem>>, vector<1x224xf32>
      tpu.vector_store %arg8[%swap3A_70, %swap3A_71], %broadcast_in_dim3A_69 {strides = array<i32>} : memref<1x224xf32, #tpu.memory_space<vmem>>, vector<1x224xf32>,
    } else {
    }
    %get3A_14 = arith.constant 0 : index
    %get3A_15 = arith.constant 0 : index
    %get3A_16 = vector.load %arg8[%get3A_14, %get3A_15] : memref<1x224xf32, #tpu.memory_space<vmem>>, vector<1x224xf32>
    %get3A_17 = arith.constant 0 : index
    %get3A_18 = arith.constant 0 : index
    %get3A_19 = vector.load %arg7[%get3A_17, %get3A_18] : memref<2x112xf32, #tpu.memory_space<vmem>>, vector<1x112xf32>
    %broadcast_in_dim3A = vector.shape_cast %get3A_2 : vector<512xf32> to vector<512x1xf32>
    %get3A_20 = arith.constant 0 : index
    %get3A_21 = arith.constant 0 : index
    %get3A_22 = vector.load %arg1[%get3A_20, %get3A_21] : memref<512x112xf32, #tpu.memory_space<vmem>>, vector<512x112xf32>
    %get3A_23 = arith.constant 0 : index
    %get3A_24 = arith.constant 0 : index
    %get3A_25 = vector.load %arg3[%get3A_23, %get3A_24] : memref<512x112xf32, #tpu.memory_space<vmem>>, vector<512x112xf32>
    %add3A_26 = arith.addf %get3A_22, %get3A_25 : vector<512x112xf32>
    %mul3A_27 = vector.broadcast %broadcast_in_dim3A : vector<512x1xf32> to vector<512x112xf32>
    %mul3A_28 = arith.mulf %mul3A_27, %add3A_26 : vector<512x112xf32>
    %add3A_29 = vector.broadcast %get3A_19 : vector<1x112xf32> to vector<512x112xf32>
    %add3A_30 = arith.addf %mul3A_28, %add3A_29 : vector<512x112xf32>
    %max3A = arith.constant 0.000000e+00 : f32
    %max3A_31 = vector.broadcast %max3A : f32 to vector<512x112xf32>
    %max3A_32 = arith.maximumf %add3A_30, %max3A_31 : vector<512x112xf32>
    %lt3A = arith.constant 10000 : i32
    %lt3A_33 = vector.broadcast %lt3A : i32 to vector<512x112xi32>
    %lt3A_34 = arith.cmpi slt, %add3A_11, %lt3A_33 : vector<512x112xi32>
    %jit3A = arith.constant 0.000000e+00 : f32
    %broadcast_in_dim3A_35 = vector.broadcast %jit3A : f32 to vector<512x112xf32>
    %select_n3A = arith.select %lt3A_34, %max3A_32, %broadcast_in_dim3A_35 : vector<512x112xi1>, vector<512x112xf32>
    %broadcast_in_dim3A_36 = vector.shape_cast %add3A : vector<512xf32> to vector<1x512xf32>
    %dot_general3A = arith.constant dense<0.000000e+00> : vector<1x112xf32>
    %dot_general3A_37 = tpu.matmul %broadcast_in_dim3A_36, %select_n3A, %dot_general3A {dimension_numbers = #tpu.dot_dimension_numbers<[1], [0], [0], [1], [0, 0, 1, 1], [], []>, transpose_lhs_hint = false} : vector<1x512xf32>, vector<512x112xf32>, vector<1x112xf32> -> vector<1x112xf32>
    %get3A_38 = arith.constant 1 : index
    %get3A_39 = arith.constant 0 : index
    %get3A_40 = vector.load %arg7[%get3A_38, %get3A_39] : memref<2x112xf32, #tpu.memory_space<vmem>>, vector<1x112xf32>
    %broadcast_in_dim3A_41 = vector.shape_cast %get3A_2 : vector<512xf32> to vector<512x1xf32>
    %get3A_42 = arith.constant 0 : index
    %get3A_43 = arith.constant 0 : index
    %get3A_44 = vector.load %arg2[%get3A_42, %get3A_43] : memref<512x112xf32, #tpu.memory_space<vmem>>, vector<512x112xf32>
    %get3A_45 = arith.constant 0 : index
    %get3A_46 = arith.constant 0 : index
    %get3A_47 = vector.load %arg4[%get3A_45, %get3A_46] : memref<512x112xf32, #tpu.memory_space<vmem>>, vector<512x112xf32>
    %add3A_48 = arith.addf %get3A_44, %get3A_47 : vector<512x112xf32>
    %mul3A_49 = vector.broadcast %broadcast_in_dim3A_41 : vector<512x1xf32> to vector<512x112xf32>
    %mul3A_50 = arith.mulf %mul3A_49, %add3A_48 : vector<512x112xf32>
    %add3A_51 = vector.broadcast %get3A_40 : vector<1x112xf32> to vector<512x112xf32>
    %add3A_52 = arith.addf %mul3A_50, %add3A_51 : vector<512x112xf32>
    %max3A_53 = arith.constant 0.000000e+00 : f32
    %max3A_54 = vector.broadcast %max3A_53 : f32 to vector<512x112xf32>
    %max3A_55 = arith.maximumf %add3A_52, %max3A_54 : vector<512x112xf32>
    %lt3A_56 = arith.constant 10000 : i32
    %lt3A_57 = vector.broadcast %lt3A_56 : i32 to vector<512x112xi32>
    %lt3A_58 = arith.cmpi slt, %add3A_11, %lt3A_57 : vector<512x112xi32>
    %jit3A_59 = arith.constant 0.000000e+00 : f32
    %broadcast_in_dim3A_60 = vector.broadcast %jit3A_59 : f32 to vector<512x112xf32>
    %select_n3A_61 = arith.select %lt3A_58, %max3A_55, %broadcast_in_dim3A_60 : vector<512x112xi1>, vector<512x112xf32>
    %broadcast_in_dim3A_62 = vector.shape_cast %add3A : vector<512xf32> to vector<1x512xf32>
    %dot_general3A_63 = arith.constant dense<0.000000e+00> : vector<1x112xf32>
    %dot_general3A_64 = tpu.matmul %broadcast_in_dim3A_62, %select_n3A_61, %dot_general3A_63 {dimension_numbers = #tpu.dot_dimension_numbers<[1], [0], [0], [1], [0, 0, 1, 1], [], []>, transpose_lhs_hint = false} : vector<1x512xf32>, vector<512x112xf32>, vector<1x112xf32> -> vector<1x112xf32>
    %concatenate3A = tpu.concatenate %dot_general3A_37, %dot_general3A_64 in 1 : vector<1x112xf32>, vector<1x112xf32> -> vector<1x224xf32>
    %add3A_65 = arith.addf %get3A_16, %concatenate3A : vector<1x224xf32>
    %swap3A = arith.constant 0 : index
    %swap3A_66 = arith.constant 0 : index
    %swap3A_67 = vector.load %arg8[%swap3A, %swap3A_66] : memref<1x224xf32, #tpu.memory_space<vmem>>, vector<1x224xf32>
    tpu.vector_store %arg8[%swap3A, %swap3A_66], %add3A_65 {strides = array<i32>} : memref<1x224xf32, #tpu.memory_space<vmem>>, vector<1x224xf32>,
    return
  }
  func.func @transform_0(%arg0: i32) -> (i32, i32) {
    %c0_i32 = arith.constant 0 : i32
    %c0_i32_0 = arith.constant 0 : i32
    return %arg0, %c0_i32 : i32, i32
  }
  func.func @transform_1(%arg0: i32) -> (i32, i32) {
    %c0_i32 = arith.constant 0 : i32
    %c0_i32_0 = arith.constant 0 : i32
    return %arg0, %c0_i32 : i32, i32
  }
  func.func @transform_2(%arg0: i32) -> (i32, i32) {
    %c0_i32 = arith.constant 0 : i32
    %c0_i32_0 = arith.constant 0 : i32
    return %arg0, %c0_i32 : i32, i32
  }
  func.func @transform_3(%arg0: i32) -> (i32, i32) {
    %c0_i32 = arith.constant 0 : i32
    %c0_i32_0 = arith.constant 0 : i32
    return %arg0, %c0_i32 : i32, i32
  }
  func.func @transform_4(%arg0: i32) -> (i32, i32) {
    %c0_i32 = arith.constant 0 : i32
    %c0_i32_0 = arith.constant 0 : i32
    return %c0_i32, %arg0 : i32, i32
  }
  func.func @transform_5(%arg0: i32) -> (i32, i32) {
    %c0_i32 = arith.constant 0 : i32
    %c0_i32_0 = arith.constant 0 : i32
    return %c0_i32, %arg0 : i32, i32
  }
  func.func @transform_6(%arg0: i32) -> (i32, i32) {
    %c0_i32 = arith.constant 0 : i32
    %c0_i32_0 = arith.constant 0 : i32
    %c0_i32_1 = arith.constant 0 : i32
    return %c0_i32, %c0_i32_0 : i32, i32
  }
  func.func @transform_7(%arg0: i32) -> (i32, i32) {
    %c0_i32 = arith.constant 0 : i32
    %c0_i32_0 = arith.constant 0 : i32
    %c0_i32_1 = arith.constant 0 : i32
    return %c0_i32, %c0_i32_0 : i32, i32
  }
}

module attributes {stable_mosaic.version = 14 : i64} {
  func.func @_fin_body(%arg0: memref<28x16xf32, #tpu.memory_space<vmem>>, %arg1: memref<16x32xf32, #tpu.memory_space<vmem>>, %arg2: memref<1x32xf32, #tpu.memory_space<vmem>>, %arg3: memref<28x32xf32, #tpu.memory_space<vmem>>, %arg4: memref<1x1xf32, #tpu.memory_space<vmem>>, %arg5: memref<1x1xf32, #tpu.memory_space<vmem>>) attributes {dimension_semantics = [], scalar_prefetch = 0 : i64, scratch_operands = 0 : i64, tpu.core_type = #tpu.core_type<tc>} {
    %get3A = arith.constant 0 : index
    %get3A_0 = arith.constant 0 : index
    %get3A_1 = vector.load %arg0[%get3A, %get3A_0] : memref<28x16xf32, #tpu.memory_space<vmem>>, vector<28x16xf32>
    %get3A_2 = arith.constant 0 : index
    %get3A_3 = arith.constant 0 : index
    %get3A_4 = vector.load %arg1[%get3A_2, %get3A_3] : memref<16x32xf32, #tpu.memory_space<vmem>>, vector<16x32xf32>
    %dot_general3A = arith.constant dense<0.000000e+00> : vector<28x32xf32>
    %dot_general3A_5 = tpu.matmul %get3A_1, %get3A_4, %dot_general3A {dimension_numbers = #tpu.dot_dimension_numbers<[1], [0], [0], [1], [0, 0, 1, 1], [], []>, transpose_lhs_hint = false} : vector<28x16xf32>, vector<16x32xf32>, vector<28x32xf32> -> vector<28x32xf32>
    %div3A = arith.constant 1.000000e+04 : f32
    %div3A_6 = vector.broadcast %div3A : f32 to vector<28x32xf32>
    %div3A_7 = arith.divf %dot_general3A_5, %div3A_6 : vector<28x32xf32>
    %get3A_8 = arith.constant 0 : index
    %get3A_9 = arith.constant 0 : index
    %get3A_10 = vector.load %arg2[%get3A_8, %get3A_9] : memref<1x32xf32, #tpu.memory_space<vmem>>, vector<1x32xf32>
    %add3A = vector.broadcast %get3A_10 : vector<1x32xf32> to vector<28x32xf32>
    %add3A_11 = arith.addf %div3A_7, %add3A : vector<28x32xf32>
    %get3A_12 = arith.constant 0 : index
    %get3A_13 = arith.constant 0 : index
    %get3A_14 = vector.load %arg3[%get3A_12, %get3A_13] : memref<28x32xf32, #tpu.memory_space<vmem>>, vector<28x32xf32>
    %mul3A = arith.mulf %add3A_11, %get3A_14 : vector<28x32xf32>
    %reduce_sum3A = vector.shape_cast %mul3A : vector<28x32xf32> to vector<1x28x32xf32>
    %reduce_sum3A_15 = arith.constant dense<0.000000e+00> : vector<1xf32>
    %reduce_sum3A_16 = vector.multi_reduction <add>, %reduce_sum3A, %reduce_sum3A_15 [1, 2] : vector<1x28x32xf32> to vector<1xf32>
    %reduce_sum3A_17 = vector.shape_cast %reduce_sum3A_16 : vector<1xf32> to vector<1x1x1xf32>
    %reduce_sum3A_18 = vector.extract %reduce_sum3A_17[0, 0, 0] : f32 from vector<1x1x1xf32>
    %get3A_19 = arith.constant 0 : index
    %get3A_20 = arith.constant 0 : index
    %get3A_21 = vector.load %arg4[%get3A_19, %get3A_20] : memref<1x1xf32, #tpu.memory_space<vmem>>, vector<1x1xf32>
    %get3A_22 = vector.extract %get3A_21[0, 0] : f32 from vector<1x1xf32>
    %add3A_23 = arith.addf %reduce_sum3A_18, %get3A_22 : f32
    %reshape3A = vector.broadcast %add3A_23 : f32 to vector<1x1xf32>
    %div3A_24 = arith.constant 2.800000e+01 : f32
    %div3A_25 = vector.broadcast %div3A_24 : f32 to vector<1x1xf32>
    %div3A_26 = arith.divf %reshape3A, %div3A_25 : vector<1x1xf32>
    %logistic3A = arith.negf %div3A_26 : vector<1x1xf32>
    %logistic3A_27 = math.exp %logistic3A : vector<1x1xf32>
    %logistic3A_28 = arith.constant 1.000000e+00 : f32
    %logistic3A_29 = vector.broadcast %logistic3A_28 : f32 to vector<1x1xf32>
    %logistic3A_30 = arith.addf %logistic3A_29, %logistic3A_27 : vector<1x1xf32>
    %logistic3A_31 = arith.divf %logistic3A_29, %logistic3A_30 : vector<1x1xf32>
    %swap3A = arith.constant 0 : index
    %swap3A_32 = arith.constant 0 : index
    %swap3A_33 = vector.load %arg5[%swap3A, %swap3A_32] : memref<1x1xf32, #tpu.memory_space<vmem>>, vector<1x1xf32>
    tpu.vector_store %arg5[%swap3A, %swap3A_32], %logistic3A_31 {strides = array<i32>} : memref<1x1xf32, #tpu.memory_space<vmem>>, vector<1x1xf32>,
    return
  }
}

</mosaic_0001>

<sc_bundles>
// kernel: kernel.11.cloned.1.call-start
scs
__scs_entry_jumppad:
0x0: {  	(pc) =	sbr.rel $0x88, $3  }
0x1: {  	(tag) =	ssettag $0x0;
	lr =	simm.s32 $0x1  }
0x2: {  	[smem:$0x3F99] =	sst lr;
	_ =	strace $0xD0000000  }
0x3: {  	_ = 	snop  }
0x4: {  	_ = 	snop  }
0x5: {  	_ = 	snop  }
0x6: {  	_ = 	snop  }
0x7: {  	_ = 	snop  }
__scs_overlays_trampoline_lowered:
0x8: {  	[smem:$0x3FA8] =	sst s0  }
0x9: {  	[smem:$0x3FA9] =	sst s1  }
0xa: {  	[smem:$0x3FAA] =	sst s2  }
0xb: {  	[smem:$0x3FAB] =	sst s3  }
0xc: {  	[smem:$0x3FAC] =	sst s4  }
0xd: {  	[smem:$0x3FAD] =	sst s5  }
0xe: {  	[smem:$0x3FAE] =	sst s6  }
0xf: {  	[smem:$0x3FAF] =	sst s7  }
0x10: {  	[smem:$0x3FB0] =	sst s8  }
0x11: {  	[smem:$0x3FB1] =	sst s9;
	s0 =	simm.s32 @!p0 $0x0  }
0x12: {  	s1 =	sld [smem:$0x3F97];
	s0 =	simm.s32 @p0 $0x1  }
0x13: {  	[smem:$0x3FB2] =	sst s0;
	s0 =	simm.s32 @!p1 $0x0  }
0x14: {  	s2 =	sld [smem:$0x3F96];
	s0 =	simm.s32 @p1 $0x1  }
0x15: {  	[smem:$0x3FB3] =	sst s0;
	s0 =	simm.s32 @!p2 $0x0  }
0x16: {  	s3 =	sld [smem:$0x3FDB];
	s0 =	simm.s32 @p2 $0x1  }
0x17: {  	s4 =	simm.s32 $0x1BF5;
	[smem:$0x3FB5] =	sst s0  }
0x18: {  	s0 =	sld [smem:$0x3F98];
	_ =	swait.ge [sflag:s4], $0x0  }
0x19: {  	s7 =	sld [smem:$0x3F99]  }
0x1a: {  	s8 =	sadd.s32 $0xFFFFE003, lr  }
0x1b: {  	s9 =	sadd.s32 $0xFFFFFEF7, lr;
	s5 =	simm.s32 $0xFFFFFFFF;
	p2 =	slt.u32 s8, $0xFFFFF086  }
0x1c: {  	p1 =	slt.u32 s9, $0xF7A;
	s5 =	simm.s32 @!p2 $0x0  }
0x1d: {  	s5 =	simm.s32 @p1 $0x1;
	p0 =	seq.s32 s7, s2  }
0x1e: {  	s7 =	smul.u32 @!p0 $0xF7A, s2;
	p2 =	seq.s32 @!p0 s5, $0x0  }
0x1f: {  	s9 =	smul.u32 $0xF7A, s1;
	s8 =	simm.s32 @!p0 $0x1BF5;
	p2 =	por !p2, p0  }
0x20: {  	[sflag:s8] =	ssyncset.s32 @!p0 $0xFFFFF086;
	s6 =	sadd.s32 @!p0 s3, s7;
	s7 =	simm.s32 @!p0 $0x108  }
0x21: {  	s3 =	sadd.s32 s3, s9;
	s6 =	sadd.s32 @!p0 $0x88, s6;
	s7 =	simm.s32 @p2 $0x1082  }
0x22: {  	[simem:s7], [sflag:s8] =	dma.local @!p0 [hbm:s6], $0xF7A  }
0x23: {  	s9 =	sor.u32 $0xD0000000, s2;
	s6 =	simm.s32 $0x108;
	_ =	swait.ge @!p0 [sflag:s8], $0x0  }
0x24: {  	s3 =	sadd.s32 $0x88, s3;
	s6 =	simm.s32 @!p1 $0x1082;
	[sflag:s4] =	ssyncset.s32 $0xFFFFF086  }
0x25: {  	[simem:s6], [sflag:s4] =	dma.local [hbm:s3], $0xF7A  }
0x26: {  	[smem:$0x3F99] =	sst s1;
	(tag) =	ssettag s2;
	_ =	strace s9  }
0x27: {  	s1 =	sld [smem:$0x3FA9]  }
0x28: {  	s2 =	sld [smem:$0x3FAA]  }
0x29: {  	s4 =	sld [smem:$0x3FAC]  }
0x2a: {  	p0 =	seq.s32 s5, $0x0;
	s5 =	sld [smem:$0x3FAD]  }
0x2b: {  	s6 =	sld [smem:$0x3FAE]  }
0x2c: {  	s7 =	sld [smem:$0x3FAF]  }
0x2d: {  	s3 =	simm.s32 $0x108;
	s8 =	sld [smem:$0x3FB0]  }
0x2e: {  	s3 =	simm.s32 @!p0 $0x1082;
	s9 =	sld [smem:$0x3FB1]  }
0x2f: {  	lr =	sadd.s32 s0, s3;
	s0 =	sld [smem:$0x3FA8]  }
0x30: {  	s3 =	sld [smem:$0x3FAB]  }
0x31: {  	[smem:$0x3FB4] =	sst s10  }
0x32: {  	s10 =	sld [smem:$0x3FB2];
	_ =	sdelay $0x3  }
0x33: {  	p0 =	seq.s32 s10, $0x1;
	s10 =	sld [smem:$0x3FB4];
	_ =	sdelay $0x3  }
0x34: {  	[smem:$0x3FB4] =	sst s10  }
0x35: {  	s10 =	sld [smem:$0x3FB3];
	_ =	sdelay $0x3  }
0x36: {  	p1 =	seq.s32 s10, $0x1;
	s10 =	sld [smem:$0x3FB4];
	_ =	sdelay $0x3  }
0x37: {  	[smem:$0x3FB4] =	sst s10  }
0x38: {  	s10 =	sld [smem:$0x3FB5]  }
0x39: {  	_ = 	snop;
	(pc) =	sbr.ind lr, $3  }
0x3a: {  	_ = 	snop  }
0x3b: {  	_ = 	snop  }
0x3c: {  	p2 =	seq.s32 s10, $0x1;
	s10 =	sld [smem:$0x3FB4]  }
0x3d: {  	_ =	shalt  }
0x3e: {  	_ =	shalt  }
0x3f: {  	_ =	shalt  }
0x40: {  	_ =	shalt  }
0x41: {  	_ =	shalt  }
0x42: {  	_ =	shalt  }
0x43: {  	_ =	shalt  }
0x44: {  	_ =	shalt  }
0x45: {  	_ =	shalt  }
0x46: {  	_ =	shalt  }
0x47: {  	_ =	shalt  }
0x48: {  	_ =	shalt  }
0x49: {  	_ =	shalt  }
0x4a: {  	_ =	shalt  }
0x4b: {  	_ =	shalt  }
0x4c: {  	_ =	shalt  }
0x4d: {  	_ =	shalt  }
0x4e: {  	_ =	shalt  }
0x4f: {  	_ =	shalt  }
0x50: {  	_ =	shalt  }
0x51: {  	_ =	shalt  }
0x52: {  	_ =	shalt  }
0x53: {  	_ =	shalt  }
0x54: {  	_ =	shalt  }
0x55: {  	_ =	shalt  }
0x56: {  	_ =	shalt  }
0x57: {  	_ =	shalt  }
0x58: {  	_ =	shalt  }
0x59: {  	_ =	shalt  }
0x5a: {  	_ =	shalt  }
0x5b: {  	_ =	shalt  }
0x5c: {  	_ =	shalt  }
0x5d: {  	_ =	shalt  }
0x5e: {  	_ =	shalt  }
0x5f: {  	_ =	shalt  }
0x60: {  	_ =	shalt  }
0x61: {  	_ =	shalt  }
0x62: {  	_ =	shalt  }
0x63: {  	_ =	shalt  }
0x64: {  	_ =	shalt  }
0x65: {  	_ =	shalt  }
0x66: {  	_ =	shalt  }
0x67: {  	_ =	shalt  }
0x68: {  	_ =	shalt  }
0x69: {  	_ =	shalt  }
0x6a: {  	_ =	shalt  }
0x6b: {  	_ =	shalt  }
0x6c: {  	_ =	shalt  }
0x6d: {  	_ =	shalt  }
0x6e: {  	_ =	shalt  }
0x6f: {  	_ =	shalt  }
0x70: {  	_ =	shalt  }
0x71: {  	_ =	shalt  }
0x72: {  	_ =	shalt  }
0x73: {  	_ =	shalt  }
0x74: {  	_ =	shalt  }
0x75: {  	_ =	shalt  }
0x76: {  	_ =	shalt  }
0x77: {  	_ =	shalt  }
0x78: {  	_ =	shalt  }
0x79: {  	_ =	shalt  }
0x7a: {  	_ =	shalt  }
0x7b: {  	_ =	shalt  }
0x7c: {  	_ =	shalt  }
0x7d: {  	_ =	shalt  }
0x7e: {  	_ =	shalt  }
0x7f: {  	_ =	shalt  }
0x80: {  	_ =	shalt  }
0x81: {  	_ =	shalt  }
0x82: {  	_ =	shalt  }
0x83: {  	_ =	shalt  }
0x84: {  	_ =	shalt  }
0x85: {  	_ =	shalt  }
0x86: {  	_ =	shalt  }
0x87: {  	_ =	shalt  }
.Lfunc_end0:
.L_simem_size_0:
called_computation_lowered:
.L_overlay_start_0:
0x88: {  	s2 =	sld [smem:$0x3FD9]  }
0x89: {  	s3 =	sld [smem:$0x3FFE];
	_ =	sdelay $0x1  }
0x8a: {  	s1 =	srdreg.scid  }
0x8b: {  	s0 =	sand.u32 $0x1, s1  }
0x8c: {  	s16 =	sshll.u32 s0, $0xA;
	s2 =	sadd.s32 s3, s2  }
0x8d: {  	s2 =	sadd.s32 s2, s16  }
0x8e: {  	[smem:$0x3FC0] =	sst s2  }
0x8f: {  	_ = 	snop  }
0x90: {  	(tm) =	ssettm $0x1  }
0x91: {  	s17 =	sld [smem:$0x3FFB];
	_ =	sdelay $0x3  }
0x92: {  	_ =	strace s17  }
0x93: {  	s2 =	sld [smem:$0x3FFC];
	_ =	sdelay $0x3  }
0x94: {  	_ =	strace s2  }
0x95: {  	s2 =	sld [smem:$0x3FFD];
	_ =	sdelay $0x3  }
0x96: {  	_ =	strace s2  }
0x97: {  	_ =	strace $0x8FFFFFFF  }
0x98: {  	s18 =	sld [smem:$0x3FDB];
	_ =	sdelay $0x1  }
0x99: {  	s19 =	simm.s32 $_scs_section_size  }
0x9a: {  	s4 =	simm.s32 $_size__tile_overlayer_lowered;
	s5 =	simm.s32 $_tile_overlayer_lowered  }
0x9b: {  	s22 =	simm.s32 $0x1BFF;
	s21 =	sshll.u32 s5, $0x1;
	s2 =	sadd.s32 s19, s18  }
0x9c: {  	s6 =	simm.s32 $0x0;
	s20 =	sshll.u32 s4, $0x1;
	s4 =	sadd.s32 s21, s2  }
0x9d: {  	[timem:s6], [sflag:s22] =	dma.local [hbm:s4], s20  }
0x9e: {  	_ =	swait.ge [sflag:s22], s20  }
0x9f: {  	s3 =	ssub.s32 $0x0, s20;
	[sflag:s22] =	ssyncset.done $0x0  }
0xa0: {  	[sflag:s22] =	ssyncadd.s32 s3;
	_ =	sdelay $0x1  }
0xa1: {  	s23 =	simm.s32 $0x1B8B  }
0xa2: {  	_ =	swait.ge [sflag:s23], $0x1  }
0xa3: {  	[sflag:s23] =	ssyncset.done $0x0  }
0xa4: {  	s25 =	simm.s32 $0x1B8E;
	s24 =	sld [smem:$0x3FFE];
	[sflag:s23] =	ssyncadd.s32 $0xFFFFFFFF  }
0xa5: {  	s26 =	simm.s32 $execute0_lowered;
	[smem:$0x3FD2] =	sst s25  }
0xa6: {  	s4 =	sshll.u32 s26, $0x1;
	_ =	strace $0x80000046;
	[dreg:$0x1] =	wrdreg $0xFFFFFFFF  }
0xa7: {  	s28 =	simm.s32 $_size_execute0_lowered;
	s2 =	sadd.s32 s2, s4;
	[dreg:$0x0] =	wrdreg $0x0  }
0xa8: {  	s4 =	sshll.u32 s28, $0x1;
	[dreg:$0x2] =	wrdreg s2  }
0xa9: {  	[dreg:$0x3] =	wrdreg s4  }
0xaa: {  	[dreg:$0x4] =	wrdreg $0xC0  }
0xab: {  	_ =	task [dreg:s6], $0x5FFFF  }
0xac: {  	[dreg:$0x1] =	wrdreg $0xFFFFFFFF  }
0xad: {  	[dreg:$0x0] =	wrdreg $0x60  }
0xae: {  	[dreg:$0x2] =	wrdreg s24  }
0xaf: {  	[dreg:$0x3] =	wrdreg $0x9  }
0xb0: {  	_ =	task.clear_ibuf [dreg:s6], $0x4FFFF;
	_ =	strace $0x90000046  }
0xb1: {  	s29 =	simm.s32 $0x9;
	_ =	strace $0x80000048  }
0xb2: {  	_ =	swait.ge [sflag:s29], $0x1  }
0xb3: {  	[sflag:s29] =	ssyncadd.s32 $0xFFFFFFFF  }
0xb4: {  	_ =	strace $0x90000048  }
0xb5: {  	_ =	sfence  }
0xb6: {  	s30 =	sld [smem:$0x0];
	_ =	sdelay $0x2  }
0xb7: {  	s31 =	sshll.u32 s1, $0xD;
	s1 =	sshrl.u32 s1, $0x2  }
0xb8: {  	s3 =	sand.u32 $0x4000, s31;
	s1 =	sadd.s32 s1, s30  }
0xb9: {  	s0 =	sor.u32 s3, s0;
	s1 =	sshll.u32 s1, $0x11  }
0xba: {  	s0 =	sor.u32 s1, s0  }
0xbb: {  	s0 =	sadd.s32 $0x8F2B, s0  }
0xbc: {  	[sflag:s0] =	ssyncadd.remote.s32 $0x1  }
0xbd: {  	_ =	sfence.sel $0xFFFF  }
0xbe: {  	[dreg:$0x0] =	wrdreg $0xFFFFFFFF;
	(pc) =	sbr.abs _section_cstart, $3  }
0xbf: {  	[dreg:$0x1] =	wrdreg $0xFFFFFFFF  }
0xc0: {  	_ =	task.clear_ibuf [dreg:s6], $0x2FFFF;
	_ =	strace $0x9FFFFFFF  }
0xc1: {  	(tm) =	ssettm $0x7FFFFFFF  }
tec
execute0_lowered:
.L_overlay_start_1:
0x0: {  	(tag) =	ssettag $0x1  }
0x1: {  	s0 =	srdreg.scid  }
0x2: {  	s4 =	rddreg [dreg:$0x0];
	s2 =	simm.s32 $0x0;
	s3 =	sand.u32 $0x1, s0  }
0x3: {  	s8 =	simm.s32 $0x1;
	s0 =	stileid.u32;
	s1 =	sshll.u32 s3, $0x4  }
0x4: {  	s9 =	simm.s32 $0x80;
	s10 =	simm.s32 $0x400;
	s5 =	sor.u32 s0, s1  }
0x5: {  	s11 =	simm.s32 $0x0;
	[smem:$0x7FF] =	sst s2;
	s6 =	sshrl.u32 s5, $0x3  }
0x6: {  	s7 =	sshll.u32 s0, $0x7;
	s30 =	ssub.s32 $0x2, s3;
	s6 =	smul.u32 $0x14000, s6  }
0x7: {  	s3 =	sadd.s32 $0x7000, s4;
	s7 =	sand.u32 $0x380, s7;
	s5 =	smul.u32 $0x190, s5  }
0x8: {  	s1 =	rddreg [dreg:$0x1];
	_ =	strace $0x80000047;
	s6 =	sor.u32 s7, s6  }
0x9: {  	s31 =	sshrl.u32 s30, $0x1;
	s5 =	sadd.s32 s5, s4;
	s6 =	sshrl.u32 s6, $0x3  }
0xa: {  	s7 =	ssub.s32 s30, s31;
	s6 =	sadd.s32 s6, s4;
	s4 =	sadd.s32 $0x3E00, s5  }
0xb: {  	v0 =	vimm.f32 $1.000000000e+00;
	s5 =	sadd.s32 $0x7600, s6;
	s6 =	smax.u32 s7, $0x1;
	s7 =	simm.s32 $0xC80  }
.LBB2_1:
0xc: {  	[tilespmem:s7], [sflag:$0x1] =	stream.linear.gather [hbm4b:s3+s2], $0x2800, $0x38;
	[tilespmem:$0x3480] =	vst v63  }
0xd: {  	_ =	swait.ge [sflag:s8], $0x2800  }
0xe: {  	[sflag:s8] =	ssyncset.done $0x0  }
0xf: {  	[sflag:s8] =	ssyncadd.s32 $0xFFFFD800  }
0x10: {  	[tilespmem:s2], [sflag:$0x1] =	stream.linear.gather [hbm4b:s4+s2], $0xC80, $0x38;
	[tilespmem:$0x3480] =	vst v63  }
0x11: {  	_ =	swait.ge [sflag:s8], $0xC80  }
0x12: {  	[sflag:s8] =	ssyncset.done $0x0  }
0x13: {  	s13 =	simm.s32 $0x0;
	s12 =	simm.s32 $0x40;
	[sflag:s8] =	ssyncadd.s32 $0xFFFFF380  }
.LBB2_2:
0x14: {  	p0 =	sne.s32 s12, $0x31C0;
	v1 =	vld [tilespmem:s13+$0x0];
	_ =	sdelay $0x3  }
.Ltmp0:
0x15: {  	(pc) =	sbr.rel @p0 .LBB2_2-.Ltmp0, $2  }
0x16: {  	_ =	sdelay $0x2  }
0x17: {  	s13 =	sshra.s32 s12, $0x2;
	s12 =	sadd.s32 $0x40, s12;
	[tilespmem:v1+s7+$0x0] =	vst.idx.add.f32.msk $0xffff, v0  }
0x18: {  	v1 =	vld [tilespmem:s13+$0x0];
	_ =	sdelay $0x5  }
0x19: {  	s11 =	sadd.s32 $0x1, s11  }
0x1a: {  	p0 =	sne.s32 s11, s6  }
.Ltmp1:
0x1b: {  	[tilespmem:v1+s7+$0x0] =	vst.idx.add.f32.msk $0xffff, v0;
	(pc) =	sbr.rel @p0 .LBB2_1-.Ltmp1, $4  }
0x1c: {  	[hbm4b:s5+s9] =	stream.strided.scatter [tilespmem:s7], [sflag:$0x1], $0x2800, s10, s9, $0x38;
	[tilespmem:$0x3480] =	vst v63  }
0x1d: {  	_ =	swait.ge [sflag:s8], $0x2800  }
0x1e: {  	[sflag:s8] =	ssyncset.done $0x0  }
0x1f: {  	[sflag:s8] =	ssyncadd.s32 $0xFFFFD800  }
0x20: {  	_ =	sfence.sel $0x180000  }
0x21: {  	[bflag:$0x0] =	sbarrier.arrive $0xFFFF  }
0x22: {  	p0 =	sne.s32 s0, $0x0;
	_ =	strace $0x90000047  }
0x23: {  	s0 =	sadd.s32 @!p0 $0x100000, s1;
	[bflag:$0x2] =	sbarrier.arrive $0xFFFF  }
0x24: {  	[sflag:s0] =	ssyncadd.tile.s32 @!p0 $0x1;
	_ =	shalt  }
.Lfunc_end2:
_tile_overlayer_lowered:
.L_overlay_start_2:
0x25: {  	(tag) =	ssettag $0x2  }
0x26: {  	s0 =	rddreg [dreg:$0x0];
	s2 =	stileid.u32  }
0x27: {  	s1 =	rddreg [dreg:$0x1];
	p0 =	sne.s32 s2, $0x0  }
0x28: {  	s3 =	rddreg [dreg:$0x2];
	[bflag:$0x3] =	sbarrier.arrive $0xFFFF;
	s2 =	simm.s32 @!p0 $0x1C01  }
0x29: {  	[timem:s3], [sflag:s2] =	dma.local @!p0 [hbm:s0], s1  }
0x2a: {  	s0 =	simm.s32 @!p0 $0x1  }
0x2b: {  	_ =	swait.ge @!p0 [sflag:s0], s1  }
0x2c: {  	s1 =	ssub.s32 @!p0 $0x0, s1;
	[sflag:s0] =	ssyncset.done @!p0 $0x0  }
0x2d: {  	[sflag:s0] =	ssyncadd.s32 @!p0 s1  }
0x2e: {  	[bflag:$0x3] =	sbarrier.arrive $0xFFFF  }
0x2f: {  	_ =	shalt  }

// kernel: kernel.14.cloned.1.call-start
scs
__scs_entry_jumppad:
0x0: {  	(pc) =	sbr.rel $0x88, $3  }
0x1: {  	(tag) =	ssettag $0x0;
	lr =	simm.s32 $0x1  }
0x2: {  	[smem:$0x3F99] =	sst lr;
	_ =	strace $0xD0000000  }
0x3: {  	_ = 	snop  }
0x4: {  	_ = 	snop  }
0x5: {  	_ = 	snop  }
0x6: {  	_ = 	snop  }
0x7: {  	_ = 	snop  }
__scs_overlays_trampoline_lowered:
0x8: {  	[smem:$0x3FA8] =	sst s0  }
0x9: {  	[smem:$0x3FA9] =	sst s1  }
0xa: {  	[smem:$0x3FAA] =	sst s2  }
0xb: {  	[smem:$0x3FAB] =	sst s3  }
0xc: {  	[smem:$0x3FAC] =	sst s4  }
0xd: {  	[smem:$0x3FAD] =	sst s5  }
0xe: {  	[smem:$0x3FAE] =	sst s6  }
0xf: {  	[smem:$0x3FAF] =	sst s7  }
0x10: {  	[smem:$0x3FB0] =	sst s8  }
0x11: {  	[smem:$0x3FB1] =	sst s9;
	s0 =	simm.s32 @!p0 $0x0  }
0x12: {  	s1 =	sld [smem:$0x3F97];
	s0 =	simm.s32 @p0 $0x1  }
0x13: {  	[smem:$0x3FB2] =	sst s0;
	s0 =	simm.s32 @!p1 $0x0  }
0x14: {  	s2 =	sld [smem:$0x3F96];
	s0 =	simm.s32 @p1 $0x1  }
0x15: {  	[smem:$0x3FB3] =	sst s0;
	s0 =	simm.s32 @!p2 $0x0  }
0x16: {  	s3 =	sld [smem:$0x3FDB];
	s0 =	simm.s32 @p2 $0x1  }
0x17: {  	s4 =	simm.s32 $0x1BF5;
	[smem:$0x3FB5] =	sst s0  }
0x18: {  	s0 =	sld [smem:$0x3F98];
	_ =	swait.ge [sflag:s4], $0x0  }
0x19: {  	s7 =	sld [smem:$0x3F99]  }
0x1a: {  	s8 =	sadd.s32 $0xFFFFE003, lr  }
0x1b: {  	s9 =	sadd.s32 $0xFFFFFEF7, lr;
	s5 =	simm.s32 $0xFFFFFFFF;
	p2 =	slt.u32 s8, $0xFFFFF086  }
0x1c: {  	p1 =	slt.u32 s9, $0xF7A;
	s5 =	simm.s32 @!p2 $0x0  }
0x1d: {  	s5 =	simm.s32 @p1 $0x1;
	p0 =	seq.s32 s7, s2  }
0x1e: {  	s7 =	smul.u32 @!p0 $0xF7A, s2;
	p2 =	seq.s32 @!p0 s5, $0x0  }
0x1f: {  	s9 =	smul.u32 $0xF7A, s1;
	s8 =	simm.s32 @!p0 $0x1BF5;
	p2 =	por !p2, p0  }
0x20: {  	[sflag:s8] =	ssyncset.s32 @!p0 $0xFFFFF086;
	s6 =	sadd.s32 @!p0 s3, s7;
	s7 =	simm.s32 @!p0 $0x108  }
0x21: {  	s3 =	sadd.s32 s3, s9;
	s6 =	sadd.s32 @!p0 $0x88, s6;
	s7 =	simm.s32 @p2 $0x1082  }
0x22: {  	[simem:s7], [sflag:s8] =	dma.local @!p0 [hbm:s6], $0xF7A  }
0x23: {  	s9 =	sor.u32 $0xD0000000, s2;
	s6 =	simm.s32 $0x108;
	_ =	swait.ge @!p0 [sflag:s8], $0x0  }
0x24: {  	s3 =	sadd.s32 $0x88, s3;
	s6 =	simm.s32 @!p1 $0x1082;
	[sflag:s4] =	ssyncset.s32 $0xFFFFF086  }
0x25: {  	[simem:s6], [sflag:s4] =	dma.local [hbm:s3], $0xF7A  }
0x26: {  	[smem:$0x3F99] =	sst s1;
	(tag) =	ssettag s2;
	_ =	strace s9  }
0x27: {  	s1 =	sld [smem:$0x3FA9]  }
0x28: {  	s2 =	sld [smem:$0x3FAA]  }
0x29: {  	s4 =	sld [smem:$0x3FAC]  }
0x2a: {  	p0 =	seq.s32 s5, $0x0;
	s5 =	sld [smem:$0x3FAD]  }
0x2b: {  	s6 =	sld [smem:$0x3FAE]  }
0x2c: {  	s7 =	sld [smem:$0x3FAF]  }
0x2d: {  	s3 =	simm.s32 $0x108;
	s8 =	sld [smem:$0x3FB0]  }
0x2e: {  	s3 =	simm.s32 @!p0 $0x1082;
	s9 =	sld [smem:$0x3FB1]  }
0x2f: {  	lr =	sadd.s32 s0, s3;
	s0 =	sld [smem:$0x3FA8]  }
0x30: {  	s3 =	sld [smem:$0x3FAB]  }
0x31: {  	[smem:$0x3FB4] =	sst s10  }
0x32: {  	s10 =	sld [smem:$0x3FB2];
	_ =	sdelay $0x3  }
0x33: {  	p0 =	seq.s32 s10, $0x1;
	s10 =	sld [smem:$0x3FB4];
	_ =	sdelay $0x3  }
0x34: {  	[smem:$0x3FB4] =	sst s10  }
0x35: {  	s10 =	sld [smem:$0x3FB3];
	_ =	sdelay $0x3  }
0x36: {  	p1 =	seq.s32 s10, $0x1;
	s10 =	sld [smem:$0x3FB4];
	_ =	sdelay $0x3  }
0x37: {  	[smem:$0x3FB4] =	sst s10  }
0x38: {  	s10 =	sld [smem:$0x3FB5]  }
0x39: {  	_ = 	snop;
	(pc) =	sbr.ind lr, $3  }
0x3a: {  	_ = 	snop  }
0x3b: {  	_ = 	snop  }
0x3c: {  	p2 =	seq.s32 s10, $0x1;
	s10 =	sld [smem:$0x3FB4]  }
0x3d: {  	_ =	shalt  }
0x3e: {  	_ =	shalt  }
0x3f: {  	_ =	shalt  }
0x40: {  	_ =	shalt  }
0x41: {  	_ =	shalt  }
0x42: {  	_ =	shalt  }
0x43: {  	_ =	shalt  }
0x44: {  	_ =	shalt  }
0x45: {  	_ =	shalt  }
0x46: {  	_ =	shalt  }
0x47: {  	_ =	shalt  }
0x48: {  	_ =	shalt  }
0x49: {  	_ =	shalt  }
0x4a: {  	_ =	shalt  }
0x4b: {  	_ =	shalt  }
0x4c: {  	_ =	shalt  }
0x4d: {  	_ =	shalt  }
0x4e: {  	_ =	shalt  }
0x4f: {  	_ =	shalt  }
0x50: {  	_ =	shalt  }
0x51: {  	_ =	shalt  }
0x52: {  	_ =	shalt  }
0x53: {  	_ =	shalt  }
0x54: {  	_ =	shalt  }
0x55: {  	_ =	shalt  }
0x56: {  	_ =	shalt  }
0x57: {  	_ =	shalt  }
0x58: {  	_ =	shalt  }
0x59: {  	_ =	shalt  }
0x5a: {  	_ =	shalt  }
0x5b: {  	_ =	shalt  }
0x5c: {  	_ =	shalt  }
0x5d: {  	_ =	shalt  }
0x5e: {  	_ =	shalt  }
0x5f: {  	_ =	shalt  }
0x60: {  	_ =	shalt  }
0x61: {  	_ =	shalt  }
0x62: {  	_ =	shalt  }
0x63: {  	_ =	shalt  }
0x64: {  	_ =	shalt  }
0x65: {  	_ =	shalt  }
0x66: {  	_ =	shalt  }
0x67: {  	_ =	shalt  }
0x68: {  	_ =	shalt  }
0x69: {  	_ =	shalt  }
0x6a: {  	_ =	shalt  }
0x6b: {  	_ =	shalt  }
0x6c: {  	_ =	shalt  }
0x6d: {  	_ =	shalt  }
0x6e: {  	_ =	shalt  }
0x6f: {  	_ =	shalt  }
0x70: {  	_ =	shalt  }
0x71: {  	_ =	shalt  }
0x72: {  	_ =	shalt  }
0x73: {  	_ =	shalt  }
0x74: {  	_ =	shalt  }
0x75: {  	_ =	shalt  }
0x76: {  	_ =	shalt  }
0x77: {  	_ =	shalt  }
0x78: {  	_ =	shalt  }
0x79: {  	_ =	shalt  }
0x7a: {  	_ =	shalt  }
0x7b: {  	_ =	shalt  }
0x7c: {  	_ =	shalt  }
0x7d: {  	_ =	shalt  }
0x7e: {  	_ =	shalt  }
0x7f: {  	_ =	shalt  }
0x80: {  	_ =	shalt  }
0x81: {  	_ =	shalt  }
0x82: {  	_ =	shalt  }
0x83: {  	_ =	shalt  }
0x84: {  	_ =	shalt  }
0x85: {  	_ =	shalt  }
0x86: {  	_ =	shalt  }
0x87: {  	_ =	shalt  }
.Lfunc_end0:
.L_simem_size_0:
called_computation.1_lowered:
.L_overlay_start_0:
0x88: {  	s2 =	sld [smem:$0x3FD9]  }
0x89: {  	s3 =	sld [smem:$0x3FFE];
	_ =	sdelay $0x1  }
0x8a: {  	s1 =	srdreg.scid  }
0x8b: {  	s0 =	sand.u32 $0x1, s1  }
0x8c: {  	s17 =	sshll.u32 s0, $0xA;
	s2 =	sadd.s32 s3, s2  }
0x8d: {  	s2 =	sadd.s32 s2, s17  }
0x8e: {  	[smem:$0x3FC0] =	sst s2  }
0x8f: {  	_ = 	snop  }
0x90: {  	(tm) =	ssettm $0x1  }
0x91: {  	s18 =	sld [smem:$0x3FFB];
	_ =	sdelay $0x3  }
0x92: {  	_ =	strace s18  }
0x93: {  	s2 =	sld [smem:$0x3FFC];
	_ =	sdelay $0x3  }
0x94: {  	_ =	strace s2  }
0x95: {  	s2 =	sld [smem:$0x3FFD];
	_ =	sdelay $0x3  }
0x96: {  	_ =	strace s2  }
0x97: {  	_ =	strace $0x8FFFFFFF  }
0x98: {  	s19 =	sld [smem:$0x3FDB];
	_ =	sdelay $0x1  }
0x99: {  	s20 =	simm.s32 $_scs_section_size  }
0x9a: {  	s4 =	simm.s32 $_size__tile_overlayer_lowered;
	s5 =	simm.s32 $_tile_overlayer_lowered  }
0x9b: {  	s6 =	simm.s32 $0x1BFF;
	s21 =	sshll.u32 s5, $0x1;
	s3 =	sadd.s32 s20, s19  }
0x9c: {  	s22 =	simm.s32 $0x0;
	s4 =	sshll.u32 s4, $0x1;
	s5 =	sadd.s32 s21, s3  }
0x9d: {  	[timem:s22], [sflag:s6] =	dma.local [hbm:s5], s4  }
0x9e: {  	_ =	swait.ge [sflag:s6], s4  }
0x9f: {  	s4 =	ssub.s32 $0x0, s4;
	[sflag:s6] =	ssyncset.done $0x0  }
0xa0: {  	[sflag:s6] =	ssyncadd.s32 s4;
	_ =	sdelay $0x1  }
0xa1: {  	s23 =	simm.s32 $0x1B8B  }
0xa2: {  	_ =	swait.ge [sflag:s23], $0x1  }
0xa3: {  	[sflag:s23] =	ssyncset.done $0x0  }
0xa4: {  	[sflag:s23] =	ssyncadd.s32 $0xFFFFFFFF  }
0xa5: {  	s4 =	sld [smem:$0x0]  }
0xa6: {  	s5 =	sand.u32 $0xFFFFFFFE, s1  }
0xa7: {  	p0 =	sne.s32 s1, s5  }
0xa8: {  	s5 =	sshll.u32 @p0 s5, $0xE  }
0xa9: {  	s5 =	sadd.s32 @p0 $0x11B8D, s5;
	s6 =	sshll.u32 @p0 s4, $0x11  }
0xaa: {  	s5 =	sor.u32 @p0 s6, s5  }
0xab: {  	[sflag:s5] =	ssyncadd.remote.s32 @p0 $0x1;
	_ =	sdelay $0x1  }
0xac: {  	s5 =	simm.s32 @p0 $0x1B8D  }
0xad: {  	_ =	swait.eq @p0 [sflag:s5], $0x1  }
0xae: {  	[sflag:s5] =	ssyncadd.s32 @p0 $0xFFFFFFFF  }
0xaf: {  	s6 =	sshll.u32 @!p0 s1, $0xE  }
0xb0: {  	s6 =	sor.u32 @!p0 $0x4000, s6;
	s5 =	simm.s32 @!p0 $0x1B8D  }
0xb1: {  	s4 =	sshll.u32 @!p0 s4, $0x11;
	s6 =	sadd.s32 @!p0 $0x11B8D, s6;
	_ =	swait.eq @!p0 [sflag:s5], $0x1  }
0xb2: {  	s4 =	sor.u32 @!p0 s4, s6;
	[sflag:s5] =	ssyncadd.s32 @!p0 $0xFFFFFFFF  }
0xb3: {  	s25 =	simm.s32 $0x1B8E;
	s24 =	sld [smem:$0x3FFE];
	[sflag:s4] =	ssyncadd.remote.s32 @!p0 $0x1  }
0xb4: {  	s26 =	simm.s32 $execute0_lowered;
	[smem:$0x3FD2] =	sst s25  }
0xb5: {  	s5 =	sshll.u32 s26, $0x1;
	_ =	strace $0x8000004C;
	[dreg:$0x1] =	wrdreg $0xFFFFFFFF  }
0xb6: {  	s28 =	simm.s32 $_size_execute0_lowered;
	s3 =	sadd.s32 s3, s5;
	[dreg:$0x0] =	wrdreg $0x0  }
0xb7: {  	s5 =	sshll.u32 s28, $0x1;
	[dreg:$0x2] =	wrdreg s3  }
0xb8: {  	[dreg:$0x3] =	wrdreg s5  }
0xb9: {  	[dreg:$0x4] =	wrdreg $0xC0  }
0xba: {  	_ =	task [dreg:s22], $0x5FFFF  }
0xbb: {  	[dreg:$0x1] =	wrdreg $0xFFFFFFFF  }
0xbc: {  	[dreg:$0x0] =	wrdreg $0x60  }
0xbd: {  	[dreg:$0x2] =	wrdreg s24  }
0xbe: {  	[dreg:$0x3] =	wrdreg $0x6C800  }
0xbf: {  	[dreg:$0x4] =	wrdreg $0x184800  }
0xc0: {  	[dreg:$0x5] =	wrdreg $0x9  }
0xc1: {  	_ =	task.clear_ibuf [dreg:s22], $0x6FFFF;
	_ =	strace $0x9000004C  }
0xc2: {  	s29 =	simm.s32 $0x9;
	_ =	strace $0x8000004E  }
0xc3: {  	_ =	swait.ge [sflag:s29], $0x1  }
0xc4: {  	[sflag:s29] =	ssyncadd.s32 $0xFFFFFFFF  }
0xc5: {  	_ =	strace $0x9000004E  }
0xc6: {  	_ =	sfence  }
0xc7: {  	s30 =	sld [smem:$0x0];
	_ =	sdelay $0x2  }
0xc8: {  	s31 =	sshll.u32 s1, $0xD;
	s1 =	sshrl.u32 s1, $0x2  }
0xc9: {  	s4 =	sand.u32 $0x4000, s31;
	s1 =	sadd.s32 s1, s30  }
0xca: {  	s0 =	sor.u32 s4, s0;
	s1 =	sshll.u32 s1, $0x11  }
0xcb: {  	s0 =	sor.u32 s1, s0  }
0xcc: {  	s0 =	sadd.s32 $0x8F2B, s0  }
0xcd: {  	[sflag:s0] =	ssyncadd.remote.s32 $0x1  }
0xce: {  	_ =	sfence.sel $0xFFFF  }
0xcf: {  	[dreg:$0x0] =	wrdreg $0xFFFFFFFF;
	(pc) =	sbr.abs _section_cstart, $3  }
0xd0: {  	[dreg:$0x1] =	wrdreg $0xFFFFFFFF  }
0xd1: {  	_ =	task.clear_ibuf [dreg:s22], $0x2FFFF;
	_ =	strace $0x9FFFFFFF  }
0xd2: {  	(tm) =	ssettm $0x7FFFFFFF  }
0xd3: {  	_ =	shalt  }
tec
execute0_lowered:
.L_overlay_start_1:
0x0: {  	(tag) =	ssettag $0x1  }
0x1: {  	s10 =	rddreg [dreg:$0x0]  }
0x2: {  	s2 =	rddreg [dreg:$0x1]  }
0x3: {  	s3 =	rddreg [dreg:$0x2];
	s0 =	stileid.u32  }
0x4: {  	s4 =	simm.s32 $0x0;
	s11 =	srdreg.scid;
	s20 =	simm.s32 $0x1A00  }
0x5: {  	s23 =	simm.s32 $0x80;
	s24 =	simm.s32 $0x3400;
	s25 =	simm.s32 $0x1  }
0x6: {  	s26 =	simm.s32 $0x6C00;
	s28 =	simm.s32 $0x0;
	s5 =	smul.u32 $0x340, s0  }
0x7: {  	[smem:$0x7FF] =	sst s4;
	s6 =	sadd.s32 $0x8AE00, s10;
	s14 =	smul.u32 $0x280, s0  }
0x8: {  	s7 =	sadd.s32 $0x3E00, s10;
	s13 =	smul.u32 $0x11800, s0;
	s8 =	sadd.s32 $0x4400, s10  }
0x9: {  	s15 =	sand.u32 $0x1, s11;
	s21 =	sshll.u32 s0, $0x6;
	_ =	strace $0x8000004D  }
0xa: {  	s17 =	ssub.s32 $0x2, s15;
	p0 =	seq.s32 s15, $0x1;
	s21 =	sor.u32 $0x1C02, s21  }
0xb: {  	s12 =	sadd.s32 s5, s10;
	s5 =	sadd.s32 $0x67E00, s10;
	s9 =	sshrl.u32 s14, $0x3  }
0xc: {  	s30 =	sshrl.u32 s13, $0x3;
	s31 =	sshrl.u32 s17, $0x1;
	s22 =	sadd.s32 s13, s2  }
.Ltmp0:
0xd: {  	s14 =	sadd.s32 s14, s3;
	s16 =	sadd.s32 s9, s10;
	(pc) =	sbr.rel .LBB2_1-.Ltmp0, $4  }
0xe: {  	s18 =	sadd.s32 s30, s10;
	s10 =	sadd.s32 $0x7600, s10;
	s19 =	ssub.s32 s17, s31  }
0xf: {  	s11 =	sadd.s32 $0x11600, s12;
	s12 =	sadd.s32 $0x14A00, s12;
	s17 =	sadd.s32 $0x500, s9  }
0x10: {  	s22 =	sshrl.u32 s22, $0x3;
	s13 =	sadd.s32 $0xD0E00, s18;
	s15 =	sadd.s32 $0x7000, s16  }
0x11: {  	s16 =	sadd.s32 $0xADE00, s18;
	s18 =	smax.u32 s19, $0x1;
	s19 =	simm.s32 $0x2  }
.LBB2_11:
0x12: {  	s0 =	sadd.s32 $0x2680, s29;
	[sflag:s19] =	ssyncadd.s32 $0xFFFFFF80  }
0x13: {  	[tilespmem:s26], [sflag:$0x1] =	stream.indirect.gather [hbm4b:s7+s23], $0x1, s0, s23, $0xb8;
	[tilespmem:$0x18700] =	vst v63  }
0x14: {  	_ =	swait.ge [sflag:s25], $0x80  }
0x15: {  	[sflag:s25] =	ssyncset.done $0x0  }
0x16: {  	s31 =	sadd.s32 $0xC80, s29;
	[sflag:s25] =	ssyncadd.s32 $0xFFFFFF80  }
0x17: {  	[spmem:s3] =	stream.indirect.scatter.add.f32 [tilespmem:s26], [sflag:$0x2], $0x1, s31, s23, $0xb8;
	[tilespmem:$0x18700] =	vst v63  }
0x18: {  	_ =	swait.ge [sflag:s19], $0x80  }
0x19: {  	[sflag:s19] =	ssyncset.done $0x0  }
0x1a: {  	s29 =	smov.u32 s17;
	[sflag:s19] =	ssyncadd.s32 $0xFFFFFF80  }
.LBB2_12:
0x1b: {  	s28 =	sadd.s32 $0x1, s28  }
0x1c: {  	s0 =	sadd.s32 s10, s29;
	p1 =	sne.s32 s28, s18  }
.Ltmp1:
0x1d: {  	[bflag:$0x0] =	sbarrier.arrive $0xFFFF;
	s1 =	sshrl.u32 s14, $0x3;
	(pc) =	sbr.rel @!p1 .LBB2_13-.Ltmp1, $4  }
0x1e: {  	[hbm:s0], [sflag:s21] =	dma.local [spmem:s1], $0x50  }
0x1f: {  	_ =	swait.ge [sflag:s19], $0x50  }
0x20: {  	[sflag:s19] =	ssyncset.done $0x0  }
0x21: {  	[sflag:s19] =	ssyncadd.s32 $0xFFFFFFB0  }
.LBB2_1:
0x22: {  	[tilespmem:s4], [sflag:$0x2] =	stream.linear.gather [hbm4b:s11+s4], $0x1A00, $0x38;
	[tilespmem:$0x18700] =	vst v63  }
0x23: {  	_ =	swait.ge [sflag:s19], $0x1A00  }
0x24: {  	[sflag:s19] =	ssyncset.done $0x0  }
0x25: {  	[sflag:s19] =	ssyncadd.s32 $0xFFFFE600  }
0x26: {  	[tilespmem:s20], [sflag:$0x2] =	stream.linear.gather [hbm4b:s12+s4], $0x1A00, $0x38;
	[tilespmem:$0x18700] =	vst v63  }
0x27: {  	_ =	swait.ge [sflag:s19], $0x1A00  }
0x28: {  	[sflag:s19] =	ssyncset.done $0x0  }
0x29: {  	[sflag:s19] =	ssyncadd.s32 $0xFFFFE600  }
0x2a: {  	[spmem:s22], [sflag:s21] =	dma.local [hbm:s8], $0x2300  }
.Ltmp2:
0x2b: {  	_ =	swait.ge [sflag:s19], $0x2300;
	(pc) =	sbr.rel @!p0 .LBB2_2-.Ltmp2, $3  }
0x2c: {  	[sflag:s19] =	ssyncset.done $0x0  }
0x2d: {  	[sflag:s19] =	ssyncadd.s32 $0xFFFFDD00  }
0x2e: {  	[bflag:$0x0] =	sbarrier.arrive $0xFFFF;
	_ =	sdelay $0x1  }
0x2f: {  	s0 =	simm.s32 $0x0  }
0x30: {  	[tilespmem:s24], [sflag:$0x1] =	stream.indirect.gather [hbm4b:s6+s23], $0x70, s0, s23, $0xb8;
	[tilespmem:$0x18700] =	vst v63  }
0x31: {  	_ =	swait.ge [sflag:s25], $0x3800  }
0x32: {  	[sflag:s25] =	ssyncset.done $0x0  }
0x33: {  	s31 =	simm.s32 $0x1A00;
	[sflag:s25] =	ssyncadd.s32 $0xFFFFC800  }
0x34: {  	[spmem:s2] =	stream.indirect.scatter.add.f32 [tilespmem:s24], [sflag:$0x2], $0x70, s31, s23, $0xb8;
	[tilespmem:$0x18700] =	vst v63  }
0x35: {  	_ =	swait.ge [sflag:s19], $0x3800  }
0x36: {  	s29 =	simm.s32 $0x200;
	s30 =	simm.s32 $0x400;
	[sflag:s19] =	ssyncset.done $0x0  }
.LBB2_8:
0x37: {  	s0 =	sshra.s32 s29, $0x2  }
0x38: {  	[sflag:s19] =	ssyncadd.s32 $0xFFFFC800;
	s29 =	smov.u32 s30;
	s1 =	sadd.s32 $0x200, s30  }
0x39: {  	[tilespmem:s24], [sflag:$0x1] =	stream.indirect.gather [hbm4b:s6+s23], $0x70, s0, s23, $0xb8;
	[tilespmem:$0x18700] =	vst v63  }
0x3a: {  	p1 =	sne.s32 s30, $0x6200;
	_ =	swait.ge [sflag:s25], $0x3800  }
.Ltmp3:
0x3b: {  	[sflag:s25] =	ssyncset.done $0x0;
	(pc) =	sbr.rel @p1 .LBB2_8-.Ltmp3, $4  }
0x3c: {  	s0 =	sadd.s32 $0x1A00, s0;
	[sflag:s25] =	ssyncadd.s32 $0xFFFFC800  }
0x3d: {  	[spmem:s2] =	stream.indirect.scatter.add.f32 [tilespmem:s24], [sflag:$0x2], $0x70, s0, s23, $0xb8;
	[tilespmem:$0x18700] =	vst v63  }
0x3e: {  	_ =	swait.ge [sflag:s19], $0x3800  }
0x3f: {  	s30 =	smov.u32 s1;
	[sflag:s19] =	ssyncset.done $0x0  }
0x40: {  	s0 =	sshra.s32 s29, $0x2;
	[sflag:s19] =	ssyncadd.s32 $0xFFFFC800  }
0x41: {  	[tilespmem:s24], [sflag:$0x1] =	stream.indirect.gather [hbm4b:s6+s23], $0x70, s0, s23, $0xb8;
	[tilespmem:$0x18700] =	vst v63  }
0x42: {  	_ =	swait.ge [sflag:s25], $0x3800  }
0x43: {  	[sflag:s25] =	ssyncset.done $0x0  }
0x44: {  	s0 =	sadd.s32 $0x1A00, s0;
	[sflag:s25] =	ssyncadd.s32 $0xFFFFC800  }
0x45: {  	[spmem:s2] =	stream.indirect.scatter.add.f32 [tilespmem:s24], [sflag:$0x2], $0x70, s0, s23, $0xb8;
	[tilespmem:$0x18700] =	vst v63  }
0x46: {  	_ =	swait.ge [sflag:s19], $0x3800  }
0x47: {  	[sflag:s19] =	ssyncset.done $0x0  }
0x48: {  	[sflag:s19] =	ssyncadd.s32 $0xFFFFC800  }
0x49: {  	[bflag:$0x0] =	sbarrier.arrive $0xFFFF  }
0x4a: {  	[hbm:s16], [sflag:s21] =	dma.local [spmem:s22], $0x2300  }
0x4b: {  	_ =	swait.ge [sflag:s19], $0x2300  }
0x4c: {  	[sflag:s19] =	ssyncset.done $0x0  }
0x4d: {  	[sflag:s19] =	ssyncadd.s32 $0xFFFFDD00  }
0x4e: {  	s31 =	sshrl.u32 s14, $0x3;
	[bflag:$0x0] =	sbarrier.arrive $0xFFFF  }
0x4f: {  	[spmem:s31], [sflag:s21] =	dma.local [hbm:s15], $0x50  }
0x50: {  	_ =	swait.ge [sflag:s19], $0x50  }
0x51: {  	[sflag:s19] =	ssyncset.done $0x0  }
0x52: {  	[sflag:s19] =	ssyncadd.s32 $0xFFFFFFB0  }
0x53: {  	s1 =	simm.s32 $0x2680;
	[bflag:$0x0] =	sbarrier.arrive $0xFFFF  }
0x54: {  	[tilespmem:s26], [sflag:$0x1] =	stream.indirect.gather [hbm4b:s7+s23], $0x1, s1, s23, $0xb8;
	[tilespmem:$0x18700] =	vst v63  }
0x55: {  	_ =	swait.ge [sflag:s25], $0x80  }
0x56: {  	[sflag:s25] =	ssyncset.done $0x0  }
0x57: {  	s31 =	simm.s32 $0xC80;
	[sflag:s25] =	ssyncadd.s32 $0xFFFFFF80  }
0x58: {  	[spmem:s3] =	stream.indirect.scatter.add.f32 [tilespmem:s26], [sflag:$0x2], $0x1, s31, s23, $0xb8;
	[tilespmem:$0x18700] =	vst v63  }
0x59: {  	_ =	swait.ge [sflag:s19], $0x80  }
0x5a: {  	s30 =	simm.s32 $0x400;
	s29 =	simm.s32 $0x80;
	[sflag:s19] =	ssyncset.done $0x0  }
.LBB2_10:
0x5b: {  	s0 =	sadd.s32 $0x2680, s29  }
0x5c: {  	[sflag:s19] =	ssyncadd.s32 $0xFFFFFF80;
	s1 =	smov.u32 s30;
	s31 =	sadd.s32 $0x200, s30  }
0x5d: {  	[tilespmem:s26], [sflag:$0x1] =	stream.indirect.gather [hbm4b:s7+s23], $0x1, s0, s23, $0xb8;
	[tilespmem:$0x18700] =	vst v63  }
0x5e: {  	p1 =	sne.s32 s30, $0x3000;
	_ =	swait.ge [sflag:s25], $0x80  }
.Ltmp4:
0x5f: {  	[sflag:s25] =	ssyncset.done $0x0;
	(pc) =	sbr.rel @p1 .LBB2_10-.Ltmp4, $4  }
0x60: {  	s0 =	sadd.s32 $0xC80, s29;
	[sflag:s25] =	ssyncadd.s32 $0xFFFFFF80  }
0x61: {  	[spmem:s3] =	stream.indirect.scatter.add.f32 [tilespmem:s26], [sflag:$0x2], $0x1, s0, s23, $0xb8;
	[tilespmem:$0x18700] =	vst v63  }
0x62: {  	_ =	swait.ge [sflag:s19], $0x80  }
0x63: {  	s29 =	sshra.s32 s1, $0x2;
	s30 =	smov.u32 s31;
	[sflag:s19] =	ssyncset.done $0x0  }
.Ltmp5:
0x64: {  	_ = 	snop;
	(pc) =	sbr.rel .LBB2_11-.Ltmp5, $1  }
0x65: {  	_ =	sdelay $0x3  }
.LBB2_2:
0x66: {  	s29 =	simm.s32 $0x0  }
0x67: {  	[tilespmem:s24], [sflag:$0x1] =	stream.indirect.gather [hbm4b:s5+s23], $0x70, s29, s23, $0xb8;
	[tilespmem:$0x18700] =	vst v63  }
0x68: {  	_ =	swait.ge [sflag:s25], $0x3800  }
0x69: {  	[sflag:s25] =	ssyncset.done $0x0  }
0x6a: {  	s29 =	simm.s32 $0x1A00;
	[sflag:s25] =	ssyncadd.s32 $0xFFFFC800  }
0x6b: {  	[spmem:s2] =	stream.indirect.scatter.add.f32 [tilespmem:s24], [sflag:$0x2], $0x70, s29, s23, $0xb8;
	[tilespmem:$0x18700] =	vst v63  }
0x6c: {  	_ =	swait.ge [sflag:s19], $0x3800  }
0x6d: {  	s30 =	simm.s32 $0x400;
	s29 =	simm.s32 $0x200;
	[sflag:s19] =	ssyncset.done $0x0  }
.LBB2_3:
0x6e: {  	s31 =	sshra.s32 s29, $0x2  }
0x6f: {  	[sflag:s19] =	ssyncadd.s32 $0xFFFFC800;
	s29 =	smov.u32 s30;
	s0 =	sadd.s32 $0x200, s30  }
0x70: {  	[tilespmem:s24], [sflag:$0x1] =	stream.indirect.gather [hbm4b:s5+s23], $0x70, s31, s23, $0xb8;
	[tilespmem:$0x18700] =	vst v63  }
0x71: {  	p1 =	sne.s32 s30, $0x6200;
	_ =	swait.ge [sflag:s25], $0x3800  }
.Ltmp6:
0x72: {  	[sflag:s25] =	ssyncset.done $0x0;
	(pc) =	sbr.rel @p1 .LBB2_3-.Ltmp6, $4  }
0x73: {  	s30 =	sadd.s32 $0x1A00, s31;
	[sflag:s25] =	ssyncadd.s32 $0xFFFFC800  }
0x74: {  	[spmem:s2] =	stream.indirect.scatter.add.f32 [tilespmem:s24], [sflag:$0x2], $0x70, s30, s23, $0xb8;
	[tilespmem:$0x18700] =	vst v63  }
0x75: {  	_ =	swait.ge [sflag:s19], $0x3800  }
0x76: {  	s30 =	smov.u32 s0;
	[sflag:s19] =	ssyncset.done $0x0  }
0x77: {  	s0 =	sshra.s32 s29, $0x2;
	[sflag:s19] =	ssyncadd.s32 $0xFFFFC800  }
0x78: {  	[tilespmem:s24], [sflag:$0x1] =	stream.indirect.gather [hbm4b:s5+s23], $0x70, s0, s23, $0xb8;
	[tilespmem:$0x18700] =	vst v63  }
0x79: {  	_ =	swait.ge [sflag:s25], $0x3800  }
0x7a: {  	[sflag:s25] =	ssyncset.done $0x0  }
0x7b: {  	s0 =	sadd.s32 $0x1A00, s0;
	[sflag:s25] =	ssyncadd.s32 $0xFFFFC800  }
0x7c: {  	[spmem:s2] =	stream.indirect.scatter.add.f32 [tilespmem:s24], [sflag:$0x2], $0x70, s0, s23, $0xb8;
	[tilespmem:$0x18700] =	vst v63  }
0x7d: {  	_ =	swait.ge [sflag:s19], $0x3800  }
0x7e: {  	[sflag:s19] =	ssyncset.done $0x0  }
0x7f: {  	[sflag:s19] =	ssyncadd.s32 $0xFFFFC800  }
0x80: {  	[bflag:$0x0] =	sbarrier.arrive $0xFFFF  }
0x81: {  	[hbm:s13], [sflag:s21] =	dma.local [spmem:s22], $0x2300  }
0x82: {  	_ =	swait.ge [sflag:s19], $0x2300  }
0x83: {  	[sflag:s19] =	ssyncset.done $0x0  }
0x84: {  	[sflag:s19] =	ssyncadd.s32 $0xFFFFDD00  }
0x85: {  	s31 =	sshrl.u32 s14, $0x3;
	[bflag:$0x0] =	sbarrier.arrive $0xFFFF  }
0x86: {  	[spmem:s31], [sflag:s21] =	dma.local [hbm:s15], $0x50  }
0x87: {  	_ =	swait.ge [sflag:s19], $0x50  }
0x88: {  	[sflag:s19] =	ssyncset.done $0x0  }
0x89: {  	[sflag:s19] =	ssyncadd.s32 $0xFFFFFFB0  }
0x8a: {  	s1 =	simm.s32 $0x1A00;
	[bflag:$0x0] =	sbarrier.arrive $0xFFFF  }
0x8b: {  	[tilespmem:s26], [sflag:$0x1] =	stream.indirect.gather [hbm4b:s7+s23], $0x1, s1, s23, $0xb8;
	[tilespmem:$0x18700] =	vst v63  }
0x8c: {  	_ =	swait.ge [sflag:s25], $0x80  }
0x8d: {  	[sflag:s25] =	ssyncset.done $0x0  }
0x8e: {  	s31 =	simm.s32 $0x0;
	[sflag:s25] =	ssyncadd.s32 $0xFFFFFF80  }
0x8f: {  	[spmem:s3] =	stream.indirect.scatter.add.f32 [tilespmem:s26], [sflag:$0x2], $0x1, s31, s23, $0xb8;
	[tilespmem:$0x18700] =	vst v63  }
0x90: {  	_ =	swait.ge [sflag:s19], $0x80  }
0x91: {  	s30 =	simm.s32 $0x400;
	s29 =	simm.s32 $0x80;
	[sflag:s19] =	ssyncset.done $0x0  }
.LBB2_5:
0x92: {  	s0 =	sadd.s32 $0x1A00, s29  }
0x93: {  	[sflag:s19] =	ssyncadd.s32 $0xFFFFFF80;
	s31 =	smov.u32 s30;
	s1 =	sadd.s32 $0x200, s30  }
0x94: {  	[tilespmem:s26], [sflag:$0x1] =	stream.indirect.gather [hbm4b:s7+s23], $0x1, s0, s23, $0xb8;
	[tilespmem:$0x18700] =	vst v63  }
0x95: {  	p1 =	seq.s32 s30, $0x3000;
	_ =	swait.ge [sflag:s25], $0x80  }
.Ltmp7:
0x96: {  	[sflag:s25] =	ssyncset.done $0x0;
	(pc) =	sbr.rel @!p1 .LBB2_5-.Ltmp7, $4  }
0x97: {  	[sflag:s25] =	ssyncadd.s32 $0xFFFFFF80  }
0x98: {  	[spmem:s3] =	stream.indirect.scatter.add.f32 [tilespmem:s26], [sflag:$0x2], $0x1, s29, s23, $0xb8;
	[tilespmem:$0x18700] =	vst v63  }
0x99: {  	_ =	swait.ge [sflag:s19], $0x80  }
0x9a: {  	s30 =	smov.u32 s1;
	s29 =	sshra.s32 s31, $0x2;
	[sflag:s19] =	ssyncset.done $0x0  }
0x9b: {  	s0 =	sadd.s32 $0x1A00, s29;
	[sflag:s19] =	ssyncadd.s32 $0xFFFFFF80  }
0x9c: {  	[tilespmem:s26], [sflag:$0x1] =	stream.indirect.gather [hbm4b:s7+s23], $0x1, s0, s23, $0xb8;
	[tilespmem:$0x18700] =	vst v63  }
0x9d: {  	_ =	swait.ge [sflag:s25], $0x80  }
0x9e: {  	[sflag:s25] =	ssyncset.done $0x0  }
.Ltmp8:
0x9f: {  	[sflag:s25] =	ssyncadd.s32 $0xFFFFFF80;
	(pc) =	sbr.rel .LBB2_12-.Ltmp8, $4  }
0xa0: {  	[spmem:s3] =	stream.indirect.scatter.add.f32 [tilespmem:s26], [sflag:$0x2], $0x1, s29, s23, $0xb8;
	[tilespmem:$0x18700] =	vst v63  }
0xa1: {  	_ =	swait.ge [sflag:s19], $0x80  }
0xa2: {  	[sflag:s19] =	ssyncset.done $0x0  }
0xa3: {  	s29 =	smov.u32 s9;
	[sflag:s19] =	ssyncadd.s32 $0xFFFFFF80  }
.LBB2_13:
0xa4: {  	_ =	sfence.sel $0x180000  }
0xa5: {  	[bflag:$0x0] =	sbarrier.arrive $0xFFFF  }
0xa6: {  	_ =	strace $0x9000004D  }
0xa7: {  	s0 =	stileid.u32;
	[bflag:$0x2] =	sbarrier.arrive $0xFFFF  }
0xa8: {  	p0 =	sne.s32 s0, $0x0;
	s0 =	rddreg [dreg:$0x3]  }
0xa9: {  	s0 =	sadd.s32 @!p0 $0x100000, s0  }
0xaa: {  	[sflag:s0] =	ssyncadd.tile.s32 @!p0 $0x1;
	_ =	shalt  }
.Lfunc_end2:
_tile_overlayer_lowered:
.L_overlay_start_2:
0xab: {  	(tag) =	ssettag $0x2  }
0xac: {  	s0 =	rddreg [dreg:$0x0];
	s2 =	stileid.u32  }
0xad: {  	s1 =	rddreg [dreg:$0x1];
	p0 =	sne.s32 s2, $0x0  }
0xae: {  	s3 =	rddreg [dreg:$0x2];
	[bflag:$0x3] =	sbarrier.arrive $0xFFFF;
	s2 =	simm.s32 @!p0 $0x1C02  }
0xaf: {  	[timem:s3], [sflag:s2] =	dma.local @!p0 [hbm:s0], s1  }
0xb0: {  	s0 =	simm.s32 @!p0 $0x2  }
0xb1: {  	_ =	swait.ge @!p0 [sflag:s0], s1  }
0xb2: {  	s1 =	ssub.s32 @!p0 $0x0, s1;
	[sflag:s0] =	ssyncset.done @!p0 $0x0  }
0xb3: {  	[sflag:s0] =	ssyncadd.s32 @!p0 s1  }
0xb4: {  	[bflag:$0x3] =	sbarrier.arrive $0xFFFF  }
0xb5: {  	_ =	shalt  }

// kernel: kernel.17.cloned.1.call-start
scs
__scs_entry_jumppad:
0x0: {  	(pc) =	sbr.rel $0x88, $3  }
0x1: {  	(tag) =	ssettag $0x0;
	lr =	simm.s32 $0x1  }
0x2: {  	[smem:$0x3F99] =	sst lr;
	_ =	strace $0xD0000000  }
0x3: {  	_ = 	snop  }
0x4: {  	_ = 	snop  }
0x5: {  	_ = 	snop  }
0x6: {  	_ = 	snop  }
0x7: {  	_ = 	snop  }
__scs_overlays_trampoline_lowered:
0x8: {  	[smem:$0x3FA8] =	sst s0  }
0x9: {  	[smem:$0x3FA9] =	sst s1  }
0xa: {  	[smem:$0x3FAA] =	sst s2  }
0xb: {  	[smem:$0x3FAB] =	sst s3  }
0xc: {  	[smem:$0x3FAC] =	sst s4  }
0xd: {  	[smem:$0x3FAD] =	sst s5  }
0xe: {  	[smem:$0x3FAE] =	sst s6  }
0xf: {  	[smem:$0x3FAF] =	sst s7  }
0x10: {  	[smem:$0x3FB0] =	sst s8  }
0x11: {  	[smem:$0x3FB1] =	sst s9;
	s0 =	simm.s32 @!p0 $0x0  }
0x12: {  	s1 =	sld [smem:$0x3F97];
	s0 =	simm.s32 @p0 $0x1  }
0x13: {  	[smem:$0x3FB2] =	sst s0;
	s0 =	simm.s32 @!p1 $0x0  }
0x14: {  	s2 =	sld [smem:$0x3F96];
	s0 =	simm.s32 @p1 $0x1  }
0x15: {  	[smem:$0x3FB3] =	sst s0;
	s0 =	simm.s32 @!p2 $0x0  }
0x16: {  	s3 =	sld [smem:$0x3FDB];
	s0 =	simm.s32 @p2 $0x1  }
0x17: {  	s4 =	simm.s32 $0x1BF5;
	[smem:$0x3FB5] =	sst s0  }
0x18: {  	s0 =	sld [smem:$0x3F98];
	_ =	swait.ge [sflag:s4], $0x0  }
0x19: {  	s7 =	sld [smem:$0x3F99]  }
0x1a: {  	s8 =	sadd.s32 $0xFFFFE003, lr  }
0x1b: {  	s9 =	sadd.s32 $0xFFFFFEF7, lr;
	s5 =	simm.s32 $0xFFFFFFFF;
	p2 =	slt.u32 s8, $0xFFFFF086  }
0x1c: {  	p1 =	slt.u32 s9, $0xF7A;
	s5 =	simm.s32 @!p2 $0x0  }
0x1d: {  	s5 =	simm.s32 @p1 $0x1;
	p0 =	seq.s32 s7, s2  }
0x1e: {  	s7 =	smul.u32 @!p0 $0xF7A, s2;
	p2 =	seq.s32 @!p0 s5, $0x0  }
0x1f: {  	s9 =	smul.u32 $0xF7A, s1;
	s8 =	simm.s32 @!p0 $0x1BF5;
	p2 =	por !p2, p0  }
0x20: {  	[sflag:s8] =	ssyncset.s32 @!p0 $0xFFFFF086;
	s6 =	sadd.s32 @!p0 s3, s7;
	s7 =	simm.s32 @!p0 $0x108  }
0x21: {  	s3 =	sadd.s32 s3, s9;
	s6 =	sadd.s32 @!p0 $0x88, s6;
	s7 =	simm.s32 @p2 $0x1082  }
0x22: {  	[simem:s7], [sflag:s8] =	dma.local @!p0 [hbm:s6], $0xF7A  }
0x23: {  	s9 =	sor.u32 $0xD0000000, s2;
	s6 =	simm.s32 $0x108;
	_ =	swait.ge @!p0 [sflag:s8], $0x0  }
0x24: {  	s3 =	sadd.s32 $0x88, s3;
	s6 =	simm.s32 @!p1 $0x1082;
	[sflag:s4] =	ssyncset.s32 $0xFFFFF086  }
0x25: {  	[simem:s6], [sflag:s4] =	dma.local [hbm:s3], $0xF7A  }
0x26: {  	[smem:$0x3F99] =	sst s1;
	(tag) =	ssettag s2;
	_ =	strace s9  }
0x27: {  	s1 =	sld [smem:$0x3FA9]  }
0x28: {  	s2 =	sld [smem:$0x3FAA]  }
0x29: {  	s4 =	sld [smem:$0x3FAC]  }
0x2a: {  	p0 =	seq.s32 s5, $0x0;
	s5 =	sld [smem:$0x3FAD]  }
0x2b: {  	s6 =	sld [smem:$0x3FAE]  }
0x2c: {  	s7 =	sld [smem:$0x3FAF]  }
0x2d: {  	s3 =	simm.s32 $0x108;
	s8 =	sld [smem:$0x3FB0]  }
0x2e: {  	s3 =	simm.s32 @!p0 $0x1082;
	s9 =	sld [smem:$0x3FB1]  }
0x2f: {  	lr =	sadd.s32 s0, s3;
	s0 =	sld [smem:$0x3FA8]  }
0x30: {  	s3 =	sld [smem:$0x3FAB]  }
0x31: {  	[smem:$0x3FB4] =	sst s10  }
0x32: {  	s10 =	sld [smem:$0x3FB2];
	_ =	sdelay $0x3  }
0x33: {  	p0 =	seq.s32 s10, $0x1;
	s10 =	sld [smem:$0x3FB4];
	_ =	sdelay $0x3  }
0x34: {  	[smem:$0x3FB4] =	sst s10  }
0x35: {  	s10 =	sld [smem:$0x3FB3];
	_ =	sdelay $0x3  }
0x36: {  	p1 =	seq.s32 s10, $0x1;
	s10 =	sld [smem:$0x3FB4];
	_ =	sdelay $0x3  }
0x37: {  	[smem:$0x3FB4] =	sst s10  }
0x38: {  	s10 =	sld [smem:$0x3FB5]  }
0x39: {  	_ = 	snop;
	(pc) =	sbr.ind lr, $3  }
0x3a: {  	_ = 	snop  }
0x3b: {  	_ = 	snop  }
0x3c: {  	p2 =	seq.s32 s10, $0x1;
	s10 =	sld [smem:$0x3FB4]  }
0x3d: {  	_ =	shalt  }
0x3e: {  	_ =	shalt  }
0x3f: {  	_ =	shalt  }
0x40: {  	_ =	shalt  }
0x41: {  	_ =	shalt  }
0x42: {  	_ =	shalt  }
0x43: {  	_ =	shalt  }
0x44: {  	_ =	shalt  }
0x45: {  	_ =	shalt  }
0x46: {  	_ =	shalt  }
0x47: {  	_ =	shalt  }
0x48: {  	_ =	shalt  }
0x49: {  	_ =	shalt  }
0x4a: {  	_ =	shalt  }
0x4b: {  	_ =	shalt  }
0x4c: {  	_ =	shalt  }
0x4d: {  	_ =	shalt  }
0x4e: {  	_ =	shalt  }
0x4f: {  	_ =	shalt  }
0x50: {  	_ =	shalt  }
0x51: {  	_ =	shalt  }
0x52: {  	_ =	shalt  }
0x53: {  	_ =	shalt  }
0x54: {  	_ =	shalt  }
0x55: {  	_ =	shalt  }
0x56: {  	_ =	shalt  }
0x57: {  	_ =	shalt  }
0x58: {  	_ =	shalt  }
0x59: {  	_ =	shalt  }
0x5a: {  	_ =	shalt  }
0x5b: {  	_ =	shalt  }
0x5c: {  	_ =	shalt  }
0x5d: {  	_ =	shalt  }
0x5e: {  	_ =	shalt  }
0x5f: {  	_ =	shalt  }
0x60: {  	_ =	shalt  }
0x61: {  	_ =	shalt  }
0x62: {  	_ =	shalt  }
0x63: {  	_ =	shalt  }
0x64: {  	_ =	shalt  }
0x65: {  	_ =	shalt  }
0x66: {  	_ =	shalt  }
0x67: {  	_ =	shalt  }
0x68: {  	_ =	shalt  }
0x69: {  	_ =	shalt  }
0x6a: {  	_ =	shalt  }
0x6b: {  	_ =	shalt  }
0x6c: {  	_ =	shalt  }
0x6d: {  	_ =	shalt  }
0x6e: {  	_ =	shalt  }
0x6f: {  	_ =	shalt  }
0x70: {  	_ =	shalt  }
0x71: {  	_ =	shalt  }
0x72: {  	_ =	shalt  }
0x73: {  	_ =	shalt  }
0x74: {  	_ =	shalt  }
0x75: {  	_ =	shalt  }
0x76: {  	_ =	shalt  }
0x77: {  	_ =	shalt  }
0x78: {  	_ =	shalt  }
0x79: {  	_ =	shalt  }
0x7a: {  	_ =	shalt  }
0x7b: {  	_ =	shalt  }
0x7c: {  	_ =	shalt  }
0x7d: {  	_ =	shalt  }
0x7e: {  	_ =	shalt  }
0x7f: {  	_ =	shalt  }
0x80: {  	_ =	shalt  }
0x81: {  	_ =	shalt  }
0x82: {  	_ =	shalt  }
0x83: {  	_ =	shalt  }
0x84: {  	_ =	shalt  }
0x85: {  	_ =	shalt  }
0x86: {  	_ =	shalt  }
0x87: {  	_ =	shalt  }
.Lfunc_end0:
.L_simem_size_0:
called_computation.2_lowered:
.L_overlay_start_0:
0x88: {  	s2 =	sld [smem:$0x3FD9]  }
0x89: {  	s3 =	sld [smem:$0x3FFE];
	_ =	sdelay $0x1  }
0x8a: {  	s1 =	srdreg.scid  }
0x8b: {  	s0 =	sand.u32 $0x1, s1  }
0x8c: {  	s16 =	sshll.u32 s0, $0xA;
	s2 =	sadd.s32 s3, s2  }
0x8d: {  	s2 =	sadd.s32 s2, s16  }
0x8e: {  	[smem:$0x3FC0] =	sst s2  }
0x8f: {  	_ = 	snop  }
0x90: {  	(tm) =	ssettm $0x1  }
0x91: {  	s17 =	sld [smem:$0x3FFB];
	_ =	sdelay $0x3  }
0x92: {  	_ =	strace s17  }
0x93: {  	s2 =	sld [smem:$0x3FFC];
	_ =	sdelay $0x3  }
0x94: {  	_ =	strace s2  }
0x95: {  	s2 =	sld [smem:$0x3FFD];
	_ =	sdelay $0x3  }
0x96: {  	_ =	strace s2  }
0x97: {  	_ =	strace $0x8FFFFFFF  }
0x98: {  	s18 =	sld [smem:$0x3FDB];
	_ =	sdelay $0x1  }
0x99: {  	s19 =	simm.s32 $_scs_section_size  }
0x9a: {  	s4 =	simm.s32 $_size__tile_overlayer_lowered;
	s5 =	simm.s32 $_tile_overlayer_lowered  }
0x9b: {  	s22 =	simm.s32 $0x1BFF;
	s21 =	sshll.u32 s5, $0x1;
	s2 =	sadd.s32 s19, s18  }
0x9c: {  	s6 =	simm.s32 $0x0;
	s20 =	sshll.u32 s4, $0x1;
	s4 =	sadd.s32 s21, s2  }
0x9d: {  	[timem:s6], [sflag:s22] =	dma.local [hbm:s4], s20  }
0x9e: {  	_ =	swait.ge [sflag:s22], s20  }
0x9f: {  	s3 =	ssub.s32 $0x0, s20;
	[sflag:s22] =	ssyncset.done $0x0  }
0xa0: {  	[sflag:s22] =	ssyncadd.s32 s3;
	_ =	sdelay $0x1  }
0xa1: {  	s23 =	simm.s32 $0x1B8B  }
0xa2: {  	_ =	swait.ge [sflag:s23], $0x1  }
0xa3: {  	[sflag:s23] =	ssyncset.done $0x0  }
0xa4: {  	s25 =	simm.s32 $0x1B8E;
	s24 =	sld [smem:$0x3FFE];
	[sflag:s23] =	ssyncadd.s32 $0xFFFFFFFF  }
0xa5: {  	s26 =	simm.s32 $execute0_lowered;
	[smem:$0x3FD2] =	sst s25  }
0xa6: {  	s4 =	sshll.u32 s26, $0x1;
	_ =	strace $0x80000049;
	[dreg:$0x1] =	wrdreg $0xFFFFFFFF  }
0xa7: {  	s28 =	simm.s32 $_size_execute0_lowered;
	s2 =	sadd.s32 s2, s4;
	[dreg:$0x0] =	wrdreg $0x0  }
0xa8: {  	s4 =	sshll.u32 s28, $0x1;
	[dreg:$0x2] =	wrdreg s2  }
0xa9: {  	[dreg:$0x3] =	wrdreg s4  }
0xaa: {  	[dreg:$0x4] =	wrdreg $0xC0  }
0xab: {  	_ =	task [dreg:s6], $0x5FFFF  }
0xac: {  	[dreg:$0x1] =	wrdreg $0xFFFFFFFF  }
0xad: {  	[dreg:$0x0] =	wrdreg $0x60  }
0xae: {  	[dreg:$0x2] =	wrdreg s24  }
0xaf: {  	[dreg:$0x3] =	wrdreg $0x6C000  }
0xb0: {  	[dreg:$0x4] =	wrdreg $0xA  }
0xb1: {  	_ =	task.clear_ibuf [dreg:s6], $0x5FFFF;
	_ =	strace $0x90000049  }
0xb2: {  	s29 =	simm.s32 $0xA;
	_ =	strace $0x8000004B  }
0xb3: {  	_ =	swait.ge [sflag:s29], $0x1  }
0xb4: {  	[sflag:s29] =	ssyncadd.s32 $0xFFFFFFFF  }
0xb5: {  	_ =	strace $0x9000004B  }
0xb6: {  	_ =	sfence  }
0xb7: {  	s30 =	sld [smem:$0x0];
	_ =	sdelay $0x2  }
0xb8: {  	s31 =	sshll.u32 s1, $0xD;
	s1 =	sshrl.u32 s1, $0x2  }
0xb9: {  	s3 =	sand.u32 $0x4000, s31;
	s1 =	sadd.s32 s1, s30  }
0xba: {  	s0 =	sor.u32 s3, s0;
	s1 =	sshll.u32 s1, $0x11  }
0xbb: {  	s0 =	sor.u32 s1, s0  }
0xbc: {  	s0 =	sadd.s32 $0x8F2B, s0  }
0xbd: {  	[sflag:s0] =	ssyncadd.remote.s32 $0x1  }
0xbe: {  	_ =	sfence.sel $0xFFFF  }
0xbf: {  	[dreg:$0x0] =	wrdreg $0xFFFFFFFF;
	(pc) =	sbr.abs _section_cstart, $3  }
0xc0: {  	[dreg:$0x1] =	wrdreg $0xFFFFFFFF  }
0xc1: {  	_ =	task.clear_ibuf [dreg:s6], $0x2FFFF;
	_ =	strace $0x9FFFFFFF  }
0xc2: {  	(tm) =	ssettm $0x7FFFFFFF  }
0xc3: {  	_ =	shalt  }
tec
execute0_lowered:
.L_overlay_start_1:
0x0: {  	(tag) =	ssettag $0x1  }
0x1: {  	s8 =	rddreg [dreg:$0x0]  }
0x2: {  	s2 =	rddreg [dreg:$0x1];
	s1 =	stileid.u32  }
0x3: {  	s0 =	rddreg [dreg:$0x2];
	s3 =	simm.s32 $0x0;
	s5 =	srdreg.scid  }
0x4: {  	s14 =	simm.s32 $0x1A00;
	s17 =	simm.s32 $0x80;
	s18 =	simm.s32 $0x3400  }
0x5: {  	s19 =	simm.s32 $0x1;
	s20 =	simm.s32 $0x0;
	s4 =	smul.u32 $0x340, s1  }
0x6: {  	[smem:$0x7FF] =	sst s3;
	s11 =	sand.u32 $0x1, s5;
	s5 =	sadd.s32 $0x158E00, s8  }
0x7: {  	s6 =	sadd.s32 $0x4400, s8;
	s7 =	sadd.s32 $0x19EE00, s8;
	s13 =	smul.u32 $0x11800, s1  }
0x8: {  	s15 =	sshll.u32 s1, $0x6;
	_ =	strace $0x8000004A;
	s9 =	ssub.s32 $0x2, s11  }
.Ltmp0:
0x9: {  	p0 =	seq.s32 s11, $0x1;
	s15 =	sor.u32 $0x1C02, s15;
	(pc) =	sbr.rel .LBB2_1-.Ltmp0, $4  }
0xa: {  	s10 =	sadd.s32 s4, s8;
	s4 =	sadd.s32 $0x135E00, s8;
	s12 =	sshrl.u32 s9, $0x1  }
0xb: {  	s8 =	sadd.s32 $0x17BE00, s8;
	s16 =	sadd.s32 s13, s2;
	s11 =	sshrl.u32 s13, $0x3  }
0xc: {  	s13 =	simm.s32 $0x2;
	s12 =	ssub.s32 s9, s12;
	s9 =	sadd.s32 $0x11600, s10  }
0xd: {  	s10 =	sadd.s32 $0x14A00, s10;
	s16 =	sshrl.u32 s16, $0x3;
	s12 =	smax.u32 s12, $0x1  }
.LBB2_7:
0xe: {  	s21 =	sshra.s32 s21, $0x2;
	[sflag:s13] =	ssyncadd.s32 $0xFFFFC800  }
0xf: {  	[tilespmem:s18], [sflag:$0x1] =	stream.indirect.gather [hbm4b:s5+s17], $0x70, s21, s17, $0xb8;
	[tilespmem:$0x18400] =	vst v63  }
0x10: {  	_ =	swait.ge [sflag:s19], $0x3800  }
0x11: {  	[sflag:s19] =	ssyncset.done $0x0  }
0x12: {  	s21 =	sadd.s32 $0x1A00, s21;
	[sflag:s19] =	ssyncadd.s32 $0xFFFFC800  }
0x13: {  	[spmem:s2] =	stream.indirect.scatter.add.f32 [tilespmem:s18], [sflag:$0x2], $0x70, s21, s17, $0xb8;
	[tilespmem:$0x18400] =	vst v63  }
0x14: {  	_ =	swait.ge [sflag:s13], $0x3800  }
0x15: {  	[sflag:s13] =	ssyncset.done $0x0  }
0x16: {  	s21 =	smov.u32 s8;
	[sflag:s13] =	ssyncadd.s32 $0xFFFFC800  }
.LBB2_8:
0x17: {  	s21 =	sadd.s32 s21, s11;
	[bflag:$0x0] =	sbarrier.arrive $0xFFFF;
	s20 =	sadd.s32 $0x1, s20  }
0x18: {  	[hbm:s21], [sflag:s15] =	dma.local [spmem:s16], $0x2300  }
0x19: {  	p1 =	sne.s32 s20, s12  }
.Ltmp1:
0x1a: {  	_ =	swait.ge [sflag:s13], $0x2300;
	(pc) =	sbr.rel @!p1 .LBB2_9-.Ltmp1, $3  }
0x1b: {  	[sflag:s13] =	ssyncset.done $0x0  }
0x1c: {  	[sflag:s13] =	ssyncadd.s32 $0xFFFFDD00  }
0x1d: {  	[bflag:$0x0] =	sbarrier.arrive $0xFFFF;
	_ =	sdelay $0x1  }
.LBB2_1:
0x1e: {  	[tilespmem:s3], [sflag:$0x2] =	stream.linear.gather [hbm4b:s9+s3], $0x1A00, $0x38;
	[tilespmem:$0x18400] =	vst v63  }
0x1f: {  	_ =	swait.ge [sflag:s13], $0x1A00  }
0x20: {  	[sflag:s13] =	ssyncset.done $0x0  }
0x21: {  	[sflag:s13] =	ssyncadd.s32 $0xFFFFE600  }
0x22: {  	[tilespmem:s14], [sflag:$0x2] =	stream.linear.gather [hbm4b:s10+s3], $0x1A00, $0x38;
	[tilespmem:$0x18400] =	vst v63  }
0x23: {  	_ =	swait.ge [sflag:s13], $0x1A00  }
0x24: {  	[sflag:s13] =	ssyncset.done $0x0  }
0x25: {  	[sflag:s13] =	ssyncadd.s32 $0xFFFFE600  }
0x26: {  	[spmem:s16], [sflag:s15] =	dma.local [hbm:s6], $0x2300  }
.Ltmp2:
0x27: {  	_ =	swait.ge [sflag:s13], $0x2300;
	(pc) =	sbr.rel @!p0 .LBB2_2-.Ltmp2, $4  }
0x28: {  	[sflag:s13] =	ssyncset.done $0x0  }
0x29: {  	[sflag:s13] =	ssyncadd.s32 $0xFFFFDD00  }
0x2a: {  	[bflag:$0x0] =	sbarrier.arrive $0xFFFF  }
0x2b: {  	s21 =	simm.s32 $0x0  }
0x2c: {  	[tilespmem:s18], [sflag:$0x1] =	stream.indirect.gather [hbm4b:s5+s17], $0x70, s21, s17, $0xb8;
	[tilespmem:$0x18400] =	vst v63  }
0x2d: {  	_ =	swait.ge [sflag:s19], $0x3800  }
0x2e: {  	[sflag:s19] =	ssyncset.done $0x0  }
0x2f: {  	s31 =	simm.s32 $0x1A00;
	[sflag:s19] =	ssyncadd.s32 $0xFFFFC800  }
0x30: {  	[spmem:s2] =	stream.indirect.scatter.add.f32 [tilespmem:s18], [sflag:$0x2], $0x70, s31, s17, $0xb8;
	[tilespmem:$0x18400] =	vst v63  }
0x31: {  	_ =	swait.ge [sflag:s13], $0x3800  }
0x32: {  	s21 =	simm.s32 $0x200;
	s22 =	simm.s32 $0x400;
	[sflag:s13] =	ssyncset.done $0x0  }
.LBB2_6:
0x33: {  	s23 =	sshra.s32 s21, $0x2  }
0x34: {  	[sflag:s13] =	ssyncadd.s32 $0xFFFFC800;
	s21 =	smov.u32 s22;
	s24 =	sadd.s32 $0x200, s22  }
0x35: {  	[tilespmem:s18], [sflag:$0x1] =	stream.indirect.gather [hbm4b:s5+s17], $0x70, s23, s17, $0xb8;
	[tilespmem:$0x18400] =	vst v63  }
0x36: {  	p1 =	sne.s32 s22, $0x6200;
	_ =	swait.ge [sflag:s19], $0x3800  }
.Ltmp3:
0x37: {  	[sflag:s19] =	ssyncset.done $0x0;
	(pc) =	sbr.rel @p1 .LBB2_6-.Ltmp3, $4  }
0x38: {  	s22 =	sadd.s32 $0x1A00, s23;
	[sflag:s19] =	ssyncadd.s32 $0xFFFFC800  }
0x39: {  	[spmem:s2] =	stream.indirect.scatter.add.f32 [tilespmem:s18], [sflag:$0x2], $0x70, s22, s17, $0xb8;
	[tilespmem:$0x18400] =	vst v63  }
0x3a: {  	_ =	swait.ge [sflag:s13], $0x3800  }
0x3b: {  	s22 =	smov.u32 s24;
	[sflag:s13] =	ssyncset.done $0x0  }
.Ltmp4:
0x3c: {  	_ = 	snop;
	(pc) =	sbr.rel .LBB2_7-.Ltmp4, $1  }
0x3d: {  	_ =	sdelay $0x3  }
.LBB2_2:
0x3e: {  	[tilespmem:s18], [sflag:$0x1] =	stream.indirect.gather [hbm4b:s4+s17], $0x70, s21, s17, $0xb8;
	[tilespmem:$0x18400] =	vst v63  }
0x3f: {  	_ =	swait.ge [sflag:s19], $0x3800  }
0x40: {  	[sflag:s19] =	ssyncset.done $0x0  }
0x41: {  	s31 =	simm.s32 $0x1A00;
	[sflag:s19] =	ssyncadd.s32 $0xFFFFC800  }
0x42: {  	[spmem:s2] =	stream.indirect.scatter.add.f32 [tilespmem:s18], [sflag:$0x2], $0x70, s31, s17, $0xb8;
	[tilespmem:$0x18400] =	vst v63  }
0x43: {  	_ =	swait.ge [sflag:s13], $0x3800  }
0x44: {  	s21 =	simm.s32 $0x200;
	s22 =	simm.s32 $0x400;
	[sflag:s13] =	ssyncset.done $0x0  }
.LBB2_3:
0x45: {  	s23 =	sshra.s32 s21, $0x2  }
0x46: {  	[sflag:s13] =	ssyncadd.s32 $0xFFFFC800;
	s21 =	smov.u32 s22;
	s24 =	sadd.s32 $0x200, s22  }
0x47: {  	[tilespmem:s18], [sflag:$0x1] =	stream.indirect.gather [hbm4b:s4+s17], $0x70, s23, s17, $0xb8;
	[tilespmem:$0x18400] =	vst v63  }
0x48: {  	p1 =	seq.s32 s22, $0x6200;
	_ =	swait.ge [sflag:s19], $0x3800  }
.Ltmp5:
0x49: {  	[sflag:s19] =	ssyncset.done $0x0;
	(pc) =	sbr.rel @!p1 .LBB2_3-.Ltmp5, $4  }
0x4a: {  	s22 =	sadd.s32 $0x1A00, s23;
	[sflag:s19] =	ssyncadd.s32 $0xFFFFC800  }
0x4b: {  	[spmem:s2] =	stream.indirect.scatter.add.f32 [tilespmem:s18], [sflag:$0x2], $0x70, s22, s17, $0xb8;
	[tilespmem:$0x18400] =	vst v63  }
0x4c: {  	_ =	swait.ge [sflag:s13], $0x3800  }
0x4d: {  	s22 =	smov.u32 s24;
	[sflag:s13] =	ssyncset.done $0x0  }
0x4e: {  	s21 =	sshra.s32 s21, $0x2;
	[sflag:s13] =	ssyncadd.s32 $0xFFFFC800  }
0x4f: {  	[tilespmem:s18], [sflag:$0x1] =	stream.indirect.gather [hbm4b:s4+s17], $0x70, s21, s17, $0xb8;
	[tilespmem:$0x18400] =	vst v63  }
0x50: {  	_ =	swait.ge [sflag:s19], $0x3800  }
0x51: {  	[sflag:s19] =	ssyncset.done $0x0  }
.Ltmp6:
0x52: {  	s21 =	sadd.s32 $0x1A00, s21;
	[sflag:s19] =	ssyncadd.s32 $0xFFFFC800;
	(pc) =	sbr.rel .LBB2_8-.Ltmp6, $4  }
0x53: {  	[spmem:s2] =	stream.indirect.scatter.add.f32 [tilespmem:s18], [sflag:$0x2], $0x70, s21, s17, $0xb8;
	[tilespmem:$0x18400] =	vst v63  }
0x54: {  	_ =	swait.ge [sflag:s13], $0x3800  }
0x55: {  	[sflag:s13] =	ssyncset.done $0x0  }
0x56: {  	s21 =	smov.u32 s7;
	[sflag:s13] =	ssyncadd.s32 $0xFFFFC800  }
.LBB2_9:
0x57: {  	_ =	sfence.sel $0x180000  }
0x58: {  	[bflag:$0x0] =	sbarrier.arrive $0xFFFF  }
0x59: {  	p0 =	sne.s32 s1, $0x0;
	_ =	strace $0x9000004A  }
0x5a: {  	s0 =	sadd.s32 @!p0 $0x100000, s0;
	[bflag:$0x2] =	sbarrier.arrive $0xFFFF  }
0x5b: {  	[sflag:s0] =	ssyncadd.tile.s32 @!p0 $0x1;
	_ =	shalt  }
.Lfunc_end2:
_tile_overlayer_lowered:
.L_overlay_start_2:
0x5c: {  	(tag) =	ssettag $0x2  }
0x5d: {  	s0 =	rddreg [dreg:$0x0];
	s2 =	stileid.u32  }
0x5e: {  	s1 =	rddreg [dreg:$0x1];
	p0 =	sne.s32 s2, $0x0  }
0x5f: {  	s3 =	rddreg [dreg:$0x2];
	[bflag:$0x3] =	sbarrier.arrive $0xFFFF;
	s2 =	simm.s32 @!p0 $0x1C02  }
0x60: {  	[timem:s3], [sflag:s2] =	dma.local @!p0 [hbm:s0], s1  }
0x61: {  	s0 =	simm.s32 @!p0 $0x2  }
0x62: {  	_ =	swait.ge @!p0 [sflag:s0], s1  }
0x63: {  	s1 =	ssub.s32 @!p0 $0x0, s1;
	[sflag:s0] =	ssyncset.done @!p0 $0x0  }
0x64: {  	[sflag:s0] =	ssyncadd.s32 @!p0 s1  }
0x65: {  	[bflag:$0x3] =	sbarrier.arrive $0xFFFF  }
0x66: {  	_ =	shalt  }

</sc_bundles>
